<compile_context>
chip_gen: v7x
topology: tpu7x:2x2x1
jax: 0.10.2.dev20260603
libtpu: 0.0.44.dev20260713+nightly
codegen_flags: <defaults>
</compile_context>

<pallas_src>
import functools

import jax
import jax.numpy as jnp
from jax import lax
from jax.experimental import pallas as pl
from jax.experimental.pallas import tpu as pltpu
from jax.experimental.pallas import tpu_sc as plsc

_NUM_CORES = 2
_NUM_SUBCORES = 16
_LANES = 16
_NW = _NUM_CORES * _NUM_SUBCORES


@functools.lru_cache(maxsize=None)
def _make_sc_kernel(batch: int, n_sites: int):
    b_per_w = batch // _NW
    assert batch % (8 * _NW) == 0
    mesh = plsc.VectorSubcoreMesh(
        core_axis_name="c", subcore_axis_name="s")

    @functools.partial(
        pl.kernel,
        out_type=(
            jax.ShapeDtypeStruct((batch,), jnp.float32),
            jax.ShapeDtypeStruct((batch,), jnp.float32),
        ),
        mesh=mesh,
        compiler_params=pltpu.CompilerParams(needs_layout_passes=False),
        scratch_types=[
            pltpu.VMEM((n_sites, b_per_w), jnp.int32),
            pltpu.VMEM((b_per_w,), jnp.int32),
            pltpu.VMEM((b_per_w,), jnp.float32),
            pltpu.VMEM((b_per_w,), jnp.float32),
            pltpu.SemaphoreType.DMA,
            pltpu.SemaphoreType.DMA,
            pltpu.SemaphoreType.DMA,
        ],
    )
    def sc_kernel(xt_hbm, real_hbm, imag_hbm, out_r, out_i,
                  xtv, idxv, rv, iv, sem_a, sem_b, sem_c):
        wid = lax.axis_index("s") * _NUM_CORES + lax.axis_index("c")
        base = wid * b_per_w
        half = b_per_w // 2
        cp_a = pltpu.async_copy(
            xt_hbm.at[:, pl.ds(base, half)],
            xtv.at[:, pl.ds(0, half)], sem_a)
        cp_b = pltpu.async_copy(
            xt_hbm.at[:, pl.ds(base + half, half)],
            xtv.at[:, pl.ds(half, half)], sem_b)

        def body(i, carry):
            off = pl.multiple_of(i * _LANES, _LANES)
            acc = jnp.zeros((_LANES,), jnp.int32)
            for j in range(n_sites):
                v = xtv[j, pl.ds(off, _LANES)]
                acc = acc * 2 + ((1 - v) >> 1)
            idxv[pl.ds(off, _LANES)] = acc
            return carry

        groups = b_per_w // _LANES
        n_chunks = 4
        gpc = groups // n_chunks
        csz = b_per_w // n_chunks
        pend = []
        for c in range(n_chunks):
            if c == 0:
                cp_a.wait()
            if c == n_chunks // 2:
                cp_b.wait()
            lax.fori_loop(c * gpc, (c + 1) * gpc, body, 0)
            s = c * csz
            pend.append(pltpu.async_copy(
                real_hbm.at[idxv.at[pl.ds(s, csz)]],
                rv.at[pl.ds(s, csz)], sem_a))
            pend.append(pltpu.async_copy(
                imag_hbm.at[idxv.at[pl.ds(s, csz)]],
                iv.at[pl.ds(s, csz)], sem_b))
        for cp in pend:
            cp.wait()
        cp_o = pltpu.async_copy(rv, out_r.at[pl.ds(base, b_per_w)], sem_c)
        pltpu.sync_copy(iv, out_i.at[pl.ds(base, b_per_w)])
        cp_o.wait()

    return sc_kernel


def kernel(x, real, imag):
    batch, n_sites = x.shape
    r, i = _make_sc_kernel(batch, n_sites)(x.T, real, imag)
    return lax.complex(r, i)

# --- scband reference (transcript-rebuilt; emitter-appended) ---
"""Pipeline reference for scband-exact-state-35665408426603 (READ-ONLY COPY).

The authoritative reference and input builder live on the scoring server;
editing this copy changes nothing except your own understanding.
"""

import jax, jax.numpy as jnp
import numpy as np

N_SITES = 20
HILB = 2 ** N_SITES
BATCH = 16384


def setup_inputs(seed: int = 0) -> dict:
    key = jax.random.key(seed)
    k1, k2, k3 = jax.random.split(key, 3)
    # spin configurations in {-1, +1}
    bits = jax.random.randint(k1, (BATCH, N_SITES), 0, 2, dtype=jnp.int32)
    x = (1 - 2 * bits).astype(jnp.int32)
    # learned parameters: real and imag parts of log-amplitudes over full Hilbert space
    # (flax nn.initializers.normal() default stddev = 0.01)
    real = jax.random.normal(k2, (HILB,), dtype=jnp.float32) * 0.01
    imag = jax.random.normal(k3, (HILB,), dtype=jnp.float32) * 0.01
    return {"x": x, "real": real, "imag": imag}


def reference(x, real, imag):
    n_sites = x.shape[-1]
    log_amplitudes = real + 1j * imag
    offsets = 2 ** jnp.arange(n_sites - 1, -1, -1, dtype=jnp.int32)
    idx = jnp.sum(offsets * jnp.asarray((1 - x) / 2, dtype=jnp.int32), axis=-1)
    return log_amplitudes[idx].T

if __name__ == "__main__":
    import jax
    _d = setup_inputs()
    print(jax.jit(kernel)(*tuple(_d.values())))

</pallas_src>

<mosaic_0001>
#map = affine_map<(d0, d1) -> (0, 0)>
#map1 = affine_map<(d0, d1) -> (0)>
module attributes {stable_mosaic.version = 14 : i64} {
  func.func @sc_kernel(%arg0: i32, %arg1: i32, %arg2: memref<20x16384xi32, #tpu.memory_space<hbm>>, %arg3: memref<1048576xf32, #tpu.memory_space<hbm>>, %arg4: memref<1048576xf32, #tpu.memory_space<hbm>>, %arg5: memref<16384xf32, #tpu.memory_space<hbm>>, %arg6: memref<16384xf32, #tpu.memory_space<hbm>>, %arg7: memref<20x512xi32, #tpu.memory_space<vmem>>, %arg8: memref<512xi32, #tpu.memory_space<vmem>>, %arg9: memref<512xf32, #tpu.memory_space<vmem>>, %arg10: memref<512xf32, #tpu.memory_space<vmem>>, %arg11: memref<!tpu.dma_semaphore, #tpu.memory_space<semaphore_mem>>, %arg12: memref<!tpu.dma_semaphore, #tpu.memory_space<semaphore_mem>>, %arg13: memref<!tpu.dma_semaphore, #tpu.memory_space<semaphore_mem>>) attributes {dimension_semantics = [#tpu.dimension_semantics<core_parallel>, #tpu.dimension_semantics<subcore_parallel>], iteration_bounds = array<i64: 2, 16>, scalar_prefetch = 0 : i64, scratch_operands = 7 : i64, tpu.core_type = #tpu.core_type<sc_vector_subcore>, window_params = [{transform_indices = #map}, {transform_indices = #map1}, {transform_indices = #map1}, {transform_indices = #map1}, {transform_indices = #map1}]} {
    %mul3A = arith.constant 2 : i32
    %mul3A_0 = arith.muli %arg1, %mul3A : i32
    %add3A = arith.addi %mul3A_0, %arg0 : i32
    %mul3A_1 = arith.constant 512 : i32
    %mul3A_2 = arith.muli %add3A, %mul3A_1 : i32
    %dma_start3A = arith.constant 0 : i32
    %dma_start3A_3 = arith.constant 0 : i32
    %dma_start3A_4 = tpu.memref_slice %arg7[%dma_start3A, %dma_start3A_3] : memref<20x512xi32, #tpu.memory_space<vmem>> -> memref<20x256xi32, #tpu.memory_space<vmem>>
    %dma_start3A_5 = arith.constant 0 : i32
    %dma_start3A_6 = tpu.memref_slice %arg2[%dma_start3A_5, %mul3A_2] : memref<20x16384xi32, #tpu.memory_space<hbm>> -> memref<20x256xi32, #tpu.memory_space<hbm>>
    %dma_start3A_7 = arith.constant 0 : i32
    %dma_start3A_8 = arith.constant 0 : i32
    %dma_start3A_9 = tpu.memref_slice %arg7[%dma_start3A_7, %dma_start3A_8] : memref<20x512xi32, #tpu.memory_space<vmem>> -> memref<20x256xi32, #tpu.memory_space<vmem>>
    %dma_start3A_10 = arith.constant 0 : i32
    %dma_start3A_11 = tpu.memref_slice %arg2[%dma_start3A_10, %mul3A_2] : memref<20x16384xi32, #tpu.memory_space<hbm>> -> memref<20x256xi32, #tpu.memory_space<hbm>>
    tpu.enqueue_dma source(%dma_start3A_11 : memref<20x256xi32, #tpu.memory_space<hbm>>) target(%dma_start3A_9 : memref<20x256xi32, #tpu.memory_space<vmem>>) target_semaphore(%arg11 : memref<!tpu.dma_semaphore, #tpu.memory_space<semaphore_mem>>)
    %add3A_12 = arith.constant 256 : i32
    %add3A_13 = arith.addi %mul3A_2, %add3A_12 : i32
    %dma_start3A_14 = arith.constant 0 : i32
    %dma_start3A_15 = arith.constant 256 : i32
    %dma_start3A_16 = tpu.memref_slice %arg7[%dma_start3A_14, %dma_start3A_15] : memref<20x512xi32, #tpu.memory_space<vmem>> -> memref<20x256xi32, #tpu.memory_space<vmem>>
    %dma_start3A_17 = arith.constant 0 : i32
    %dma_start3A_18 = tpu.memref_slice %arg2[%dma_start3A_17, %add3A_13] : memref<20x16384xi32, #tpu.memory_space<hbm>> -> memref<20x256xi32, #tpu.memory_space<hbm>>
    %dma_start3A_19 = arith.constant 0 : i32
    %dma_start3A_20 = arith.constant 256 : i32
    %dma_start3A_21 = tpu.memref_slice %arg7[%dma_start3A_19, %dma_start3A_20] : memref<20x512xi32, #tpu.memory_space<vmem>> -> memref<20x256xi32, #tpu.memory_space<vmem>>
    %dma_start3A_22 = arith.constant 0 : i32
    %dma_start3A_23 = tpu.memref_slice %arg2[%dma_start3A_22, %add3A_13] : memref<20x16384xi32, #tpu.memory_space<hbm>> -> memref<20x256xi32, #tpu.memory_space<hbm>>
    tpu.enqueue_dma source(%dma_start3A_23 : memref<20x256xi32, #tpu.memory_space<hbm>>) target(%dma_start3A_21 : memref<20x256xi32, #tpu.memory_space<vmem>>) target_semaphore(%arg12 : memref<!tpu.dma_semaphore, #tpu.memory_space<semaphore_mem>>)
    %dma_wait3A = arith.constant 0 : i32
    %dma_wait3A_24 = arith.constant 0 : i32
    %dma_wait3A_25 = tpu.memref_slice %arg7[%dma_wait3A, %dma_wait3A_24] : memref<20x512xi32, #tpu.memory_space<vmem>> -> memref<20x256xi32, #tpu.memory_space<vmem>>
    %dma_wait3A_26 = arith.constant 0 : i32
    %dma_wait3A_27 = tpu.memref_slice %arg2[%dma_wait3A_26, %mul3A_2] : memref<20x16384xi32, #tpu.memory_space<hbm>> -> memref<20x256xi32, #tpu.memory_space<hbm>>
    %dma_wait3A_28 = arith.constant 0 : i32
    %dma_wait3A_29 = arith.constant 0 : i32
    %dma_wait3A_30 = tpu.memref_slice %arg7[%dma_wait3A_28, %dma_wait3A_29] : memref<20x512xi32, #tpu.memory_space<vmem>> -> memref<20x256xi32, #tpu.memory_space<vmem>>
    %dma_wait3A_31 = arith.constant 0 : i32
    %dma_wait3A_32 = tpu.memref_slice %arg2[%dma_wait3A_31, %mul3A_2] : memref<20x16384xi32, #tpu.memory_space<hbm>> -> memref<20x256xi32, #tpu.memory_space<hbm>>
    tpu.wait_dma2 semaphore(%arg11 : memref<!tpu.dma_semaphore, #tpu.memory_space<semaphore_mem>>) src(%dma_wait3A_32 : memref<20x256xi32, #tpu.memory_space<hbm>>) dst(%dma_wait3A_30 : memref<20x256xi32, #tpu.memory_space<vmem>>)
    %scan3A = arith.constant 0 : i32
    %scan3A_33 = arith.constant 0 : i32
    %scan3A_34 = arith.constant 8 : i32
    %scan3A_35 = arith.addi %scan3A_33, %scan3A_34 : i32
    %scan3A_36 = arith.constant 1 : i32
    scf.for %scan3A_166 = %scan3A_33 to %scan3A_35 step %scan3A_36  : i32 {
      %mul3A_167 = arith.constant 16 : i32
      %mul3A_168 = arith.muli %scan3A_166, %mul3A_167 : i32
      %multiple_of3A = tpu.assume_multiple %mul3A_168, 16 : i32
      %broadcast_in_dim3A = arith.constant 0 : i32
      %broadcast_in_dim3A_169 = vector.broadcast %broadcast_in_dim3A : i32 to vector<16xi32>
      %get3A = arith.constant 0 : i32
      %get3A_170 = arith.index_cast %get3A : i32 to index
      %get3A_171 = arith.index_cast %multiple_of3A : i32 to index
      %get3A_172 = tpu.vector_load %arg7[%get3A_170, %get3A_171] {strides = array<i32>} : memref<20x512xi32, #tpu.memory_space<vmem>>, vector<16xi32>,
      %mul3A_173 = arith.constant 2 : i32
      %mul3A_174 = vector.broadcast %mul3A_173 : i32 to vector<16xi32>
      %mul3A_175 = arith.muli %broadcast_in_dim3A_169, %mul3A_174 : vector<16xi32>
      %sub3A = arith.constant 1 : i32
      %sub3A_176 = vector.broadcast %sub3A : i32 to vector<16xi32>
      %sub3A_177 = arith.subi %sub3A_176, %get3A_172 : vector<16xi32>
      %shift_right_arithmetic3A = arith.constant 1 : i32
      %shift_right_arithmetic3A_178 = vector.broadcast %shift_right_arithmetic3A : i32 to vector<16xi32>
      %shift_right_arithmetic3A_179 = arith.shrsi %sub3A_177, %shift_right_arithmetic3A_178 : vector<16xi32>
      %add3A_180 = arith.addi %mul3A_175, %shift_right_arithmetic3A_179 : vector<16xi32>
      %get3A_181 = arith.constant 1 : i32
      %get3A_182 = arith.index_cast %get3A_181 : i32 to index
      %get3A_183 = arith.index_cast %multiple_of3A : i32 to index
      %get3A_184 = tpu.vector_load %arg7[%get3A_182, %get3A_183] {strides = array<i32>} : memref<20x512xi32, #tpu.memory_space<vmem>>, vector<16xi32>,
      %mul3A_185 = arith.constant 2 : i32
      %mul3A_186 = vector.broadcast %mul3A_185 : i32 to vector<16xi32>
      %mul3A_187 = arith.muli %add3A_180, %mul3A_186 : vector<16xi32>
      %sub3A_188 = arith.constant 1 : i32
      %sub3A_189 = vector.broadcast %sub3A_188 : i32 to vector<16xi32>
      %sub3A_190 = arith.subi %sub3A_189, %get3A_184 : vector<16xi32>
      %shift_right_arithmetic3A_191 = arith.constant 1 : i32
      %shift_right_arithmetic3A_192 = vector.broadcast %shift_right_arithmetic3A_191 : i32 to vector<16xi32>
      %shift_right_arithmetic3A_193 = arith.shrsi %sub3A_190, %shift_right_arithmetic3A_192 : vector<16xi32>
      %add3A_194 = arith.addi %mul3A_187, %shift_right_arithmetic3A_193 : vector<16xi32>
      %get3A_195 = arith.constant 2 : i32
      %get3A_196 = arith.index_cast %get3A_195 : i32 to index
      %get3A_197 = arith.index_cast %multiple_of3A : i32 to index
      %get3A_198 = tpu.vector_load %arg7[%get3A_196, %get3A_197] {strides = array<i32>} : memref<20x512xi32, #tpu.memory_space<vmem>>, vector<16xi32>,
      %mul3A_199 = arith.constant 2 : i32
      %mul3A_200 = vector.broadcast %mul3A_199 : i32 to vector<16xi32>
      %mul3A_201 = arith.muli %add3A_194, %mul3A_200 : vector<16xi32>
      %sub3A_202 = arith.constant 1 : i32
      %sub3A_203 = vector.broadcast %sub3A_202 : i32 to vector<16xi32>
      %sub3A_204 = arith.subi %sub3A_203, %get3A_198 : vector<16xi32>
      %shift_right_arithmetic3A_205 = arith.constant 1 : i32
      %shift_right_arithmetic3A_206 = vector.broadcast %shift_right_arithmetic3A_205 : i32 to vector<16xi32>
      %shift_right_arithmetic3A_207 = arith.shrsi %sub3A_204, %shift_right_arithmetic3A_206 : vector<16xi32>
      %add3A_208 = arith.addi %mul3A_201, %shift_right_arithmetic3A_207 : vector<16xi32>
      %get3A_209 = arith.constant 3 : i32
      %get3A_210 = arith.index_cast %get3A_209 : i32 to index
      %get3A_211 = arith.index_cast %multiple_of3A : i32 to index
      %get3A_212 = tpu.vector_load %arg7[%get3A_210, %get3A_211] {strides = array<i32>} : memref<20x512xi32, #tpu.memory_space<vmem>>, vector<16xi32>,
      %mul3A_213 = arith.constant 2 : i32
      %mul3A_214 = vector.broadcast %mul3A_213 : i32 to vector<16xi32>
      %mul3A_215 = arith.muli %add3A_208, %mul3A_214 : vector<16xi32>
      %sub3A_216 = arith.constant 1 : i32
      %sub3A_217 = vector.broadcast %sub3A_216 : i32 to vector<16xi32>
      %sub3A_218 = arith.subi %sub3A_217, %get3A_212 : vector<16xi32>
      %shift_right_arithmetic3A_219 = arith.constant 1 : i32
      %shift_right_arithmetic3A_220 = vector.broadcast %shift_right_arithmetic3A_219 : i32 to vector<16xi32>
      %shift_right_arithmetic3A_221 = arith.shrsi %sub3A_218, %shift_right_arithmetic3A_220 : vector<16xi32>
      %add3A_222 = arith.addi %mul3A_215, %shift_right_arithmetic3A_221 : vector<16xi32>
      %get3A_223 = arith.constant 4 : i32
      %get3A_224 = arith.index_cast %get3A_223 : i32 to index
      %get3A_225 = arith.index_cast %multiple_of3A : i32 to index
      %get3A_226 = tpu.vector_load %arg7[%get3A_224, %get3A_225] {strides = array<i32>} : memref<20x512xi32, #tpu.memory_space<vmem>>, vector<16xi32>,
      %mul3A_227 = arith.constant 2 : i32
      %mul3A_228 = vector.broadcast %mul3A_227 : i32 to vector<16xi32>
      %mul3A_229 = arith.muli %add3A_222, %mul3A_228 : vector<16xi32>
      %sub3A_230 = arith.constant 1 : i32
      %sub3A_231 = vector.broadcast %sub3A_230 : i32 to vector<16xi32>
      %sub3A_232 = arith.subi %sub3A_231, %get3A_226 : vector<16xi32>
      %shift_right_arithmetic3A_233 = arith.constant 1 : i32
      %shift_right_arithmetic3A_234 = vector.broadcast %shift_right_arithmetic3A_233 : i32 to vector<16xi32>
      %shift_right_arithmetic3A_235 = arith.shrsi %sub3A_232, %shift_right_arithmetic3A_234 : vector<16xi32>
      %add3A_236 = arith.addi %mul3A_229, %shift_right_arithmetic3A_235 : vector<16xi32>
      %get3A_237 = arith.constant 5 : i32
      %get3A_238 = arith.index_cast %get3A_237 : i32 to index
      %get3A_239 = arith.index_cast %multiple_of3A : i32 to index
      %get3A_240 = tpu.vector_load %arg7[%get3A_238, %get3A_239] {strides = array<i32>} : memref<20x512xi32, #tpu.memory_space<vmem>>, vector<16xi32>,
      %mul3A_241 = arith.constant 2 : i32
      %mul3A_242 = vector.broadcast %mul3A_241 : i32 to vector<16xi32>
      %mul3A_243 = arith.muli %add3A_236, %mul3A_242 : vector<16xi32>
      %sub3A_244 = arith.constant 1 : i32
      %sub3A_245 = vector.broadcast %sub3A_244 : i32 to vector<16xi32>
      %sub3A_246 = arith.subi %sub3A_245, %get3A_240 : vector<16xi32>
      %shift_right_arithmetic3A_247 = arith.constant 1 : i32
      %shift_right_arithmetic3A_248 = vector.broadcast %shift_right_arithmetic3A_247 : i32 to vector<16xi32>
      %shift_right_arithmetic3A_249 = arith.shrsi %sub3A_246, %shift_right_arithmetic3A_248 : vector<16xi32>
      %add3A_250 = arith.addi %mul3A_243, %shift_right_arithmetic3A_249 : vector<16xi32>
      %get3A_251 = arith.constant 6 : i32
      %get3A_252 = arith.index_cast %get3A_251 : i32 to index
      %get3A_253 = arith.index_cast %multiple_of3A : i32 to index
      %get3A_254 = tpu.vector_load %arg7[%get3A_252, %get3A_253] {strides = array<i32>} : memref<20x512xi32, #tpu.memory_space<vmem>>, vector<16xi32>,
      %mul3A_255 = arith.constant 2 : i32
      %mul3A_256 = vector.broadcast %mul3A_255 : i32 to vector<16xi32>
      %mul3A_257 = arith.muli %add3A_250, %mul3A_256 : vector<16xi32>
      %sub3A_258 = arith.constant 1 : i32
      %sub3A_259 = vector.broadcast %sub3A_258 : i32 to vector<16xi32>
      %sub3A_260 = arith.subi %sub3A_259, %get3A_254 : vector<16xi32>
      %shift_right_arithmetic3A_261 = arith.constant 1 : i32
      %shift_right_arithmetic3A_262 = vector.broadcast %shift_right_arithmetic3A_261 : i32 to vector<16xi32>
      %shift_right_arithmetic3A_263 = arith.shrsi %sub3A_260, %shift_right_arithmetic3A_262 : vector<16xi32>
      %add3A_264 = arith.addi %mul3A_257, %shift_right_arithmetic3A_263 : vector<16xi32>
      %get3A_265 = arith.constant 7 : i32
      %get3A_266 = arith.index_cast %get3A_265 : i32 to index
      %get3A_267 = arith.index_cast %multiple_of3A : i32 to index
      %get3A_268 = tpu.vector_load %arg7[%get3A_266, %get3A_267] {strides = array<i32>} : memref<20x512xi32, #tpu.memory_space<vmem>>, vector<16xi32>,
      %mul3A_269 = arith.constant 2 : i32
      %mul3A_270 = vector.broadcast %mul3A_269 : i32 to vector<16xi32>
      %mul3A_271 = arith.muli %add3A_264, %mul3A_270 : vector<16xi32>
      %sub3A_272 = arith.constant 1 : i32
      %sub3A_273 = vector.broadcast %sub3A_272 : i32 to vector<16xi32>
      %sub3A_274 = arith.subi %sub3A_273, %get3A_268 : vector<16xi32>
      %shift_right_arithmetic3A_275 = arith.constant 1 : i32
      %shift_right_arithmetic3A_276 = vector.broadcast %shift_right_arithmetic3A_275 : i32 to vector<16xi32>
      %shift_right_arithmetic3A_277 = arith.shrsi %sub3A_274, %shift_right_arithmetic3A_276 : vector<16xi32>
      %add3A_278 = arith.addi %mul3A_271, %shift_right_arithmetic3A_277 : vector<16xi32>
      %get3A_279 = arith.constant 8 : i32
      %get3A_280 = arith.index_cast %get3A_279 : i32 to index
      %get3A_281 = arith.index_cast %multiple_of3A : i32 to index
      %get3A_282 = tpu.vector_load %arg7[%get3A_280, %get3A_281] {strides = array<i32>} : memref<20x512xi32, #tpu.memory_space<vmem>>, vector<16xi32>,
      %mul3A_283 = arith.constant 2 : i32
      %mul3A_284 = vector.broadcast %mul3A_283 : i32 to vector<16xi32>
      %mul3A_285 = arith.muli %add3A_278, %mul3A_284 : vector<16xi32>
      %sub3A_286 = arith.constant 1 : i32
      %sub3A_287 = vector.broadcast %sub3A_286 : i32 to vector<16xi32>
      %sub3A_288 = arith.subi %sub3A_287, %get3A_282 : vector<16xi32>
      %shift_right_arithmetic3A_289 = arith.constant 1 : i32
      %shift_right_arithmetic3A_290 = vector.broadcast %shift_right_arithmetic3A_289 : i32 to vector<16xi32>
      %shift_right_arithmetic3A_291 = arith.shrsi %sub3A_288, %shift_right_arithmetic3A_290 : vector<16xi32>
      %add3A_292 = arith.addi %mul3A_285, %shift_right_arithmetic3A_291 : vector<16xi32>
      %get3A_293 = arith.constant 9 : i32
      %get3A_294 = arith.index_cast %get3A_293 : i32 to index
      %get3A_295 = arith.index_cast %multiple_of3A : i32 to index
      %get3A_296 = tpu.vector_load %arg7[%get3A_294, %get3A_295] {strides = array<i32>} : memref<20x512xi32, #tpu.memory_space<vmem>>, vector<16xi32>,
      %mul3A_297 = arith.constant 2 : i32
      %mul3A_298 = vector.broadcast %mul3A_297 : i32 to vector<16xi32>
      %mul3A_299 = arith.muli %add3A_292, %mul3A_298 : vector<16xi32>
      %sub3A_300 = arith.constant 1 : i32
      %sub3A_301 = vector.broadcast %sub3A_300 : i32 to vector<16xi32>
      %sub3A_302 = arith.subi %sub3A_301, %get3A_296 : vector<16xi32>
      %shift_right_arithmetic3A_303 = arith.constant 1 : i32
      %shift_right_arithmetic3A_304 = vector.broadcast %shift_right_arithmetic3A_303 : i32 to vector<16xi32>
      %shift_right_arithmetic3A_305 = arith.shrsi %sub3A_302, %shift_right_arithmetic3A_304 : vector<16xi32>
      %add3A_306 = arith.addi %mul3A_299, %shift_right_arithmetic3A_305 : vector<16xi32>
      %get3A_307 = arith.constant 10 : i32
      %get3A_308 = arith.index_cast %get3A_307 : i32 to index
      %get3A_309 = arith.index_cast %multiple_of3A : i32 to index
      %get3A_310 = tpu.vector_load %arg7[%get3A_308, %get3A_309] {strides = array<i32>} : memref<20x512xi32, #tpu.memory_space<vmem>>, vector<16xi32>,
      %mul3A_311 = arith.constant 2 : i32
      %mul3A_312 = vector.broadcast %mul3A_311 : i32 to vector<16xi32>
      %mul3A_313 = arith.muli %add3A_306, %mul3A_312 : vector<16xi32>
      %sub3A_314 = arith.constant 1 : i32
      %sub3A_315 = vector.broadcast %sub3A_314 : i32 to vector<16xi32>
      %sub3A_316 = arith.subi %sub3A_315, %get3A_310 : vector<16xi32>
      %shift_right_arithmetic3A_317 = arith.constant 1 : i32
      %shift_right_arithmetic3A_318 = vector.broadcast %shift_right_arithmetic3A_317 : i32 to vector<16xi32>
      %shift_right_arithmetic3A_319 = arith.shrsi %sub3A_316, %shift_right_arithmetic3A_318 : vector<16xi32>
      %add3A_320 = arith.addi %mul3A_313, %shift_right_arithmetic3A_319 : vector<16xi32>
      %get3A_321 = arith.constant 11 : i32
      %get3A_322 = arith.index_cast %get3A_321 : i32 to index
      %get3A_323 = arith.index_cast %multiple_of3A : i32 to index
      %get3A_324 = tpu.vector_load %arg7[%get3A_322, %get3A_323] {strides = array<i32>} : memref<20x512xi32, #tpu.memory_space<vmem>>, vector<16xi32>,
      %mul3A_325 = arith.constant 2 : i32
      %mul3A_326 = vector.broadcast %mul3A_325 : i32 to vector<16xi32>
      %mul3A_327 = arith.muli %add3A_320, %mul3A_326 : vector<16xi32>
      %sub3A_328 = arith.constant 1 : i32
      %sub3A_329 = vector.broadcast %sub3A_328 : i32 to vector<16xi32>
      %sub3A_330 = arith.subi %sub3A_329, %get3A_324 : vector<16xi32>
      %shift_right_arithmetic3A_331 = arith.constant 1 : i32
      %shift_right_arithmetic3A_332 = vector.broadcast %shift_right_arithmetic3A_331 : i32 to vector<16xi32>
      %shift_right_arithmetic3A_333 = arith.shrsi %sub3A_330, %shift_right_arithmetic3A_332 : vector<16xi32>
      %add3A_334 = arith.addi %mul3A_327, %shift_right_arithmetic3A_333 : vector<16xi32>
      %get3A_335 = arith.constant 12 : i32
      %get3A_336 = arith.index_cast %get3A_335 : i32 to index
      %get3A_337 = arith.index_cast %multiple_of3A : i32 to index
      %get3A_338 = tpu.vector_load %arg7[%get3A_336, %get3A_337] {strides = array<i32>} : memref<20x512xi32, #tpu.memory_space<vmem>>, vector<16xi32>,
      %mul3A_339 = arith.constant 2 : i32
      %mul3A_340 = vector.broadcast %mul3A_339 : i32 to vector<16xi32>
      %mul3A_341 = arith.muli %add3A_334, %mul3A_340 : vector<16xi32>
      %sub3A_342 = arith.constant 1 : i32
      %sub3A_343 = vector.broadcast %sub3A_342 : i32 to vector<16xi32>
      %sub3A_344 = arith.subi %sub3A_343, %get3A_338 : vector<16xi32>
      %shift_right_arithmetic3A_345 = arith.constant 1 : i32
      %shift_right_arithmetic3A_346 = vector.broadcast %shift_right_arithmetic3A_345 : i32 to vector<16xi32>
      %shift_right_arithmetic3A_347 = arith.shrsi %sub3A_344, %shift_right_arithmetic3A_346 : vector<16xi32>
      %add3A_348 = arith.addi %mul3A_341, %shift_right_arithmetic3A_347 : vector<16xi32>
      %get3A_349 = arith.constant 13 : i32
      %get3A_350 = arith.index_cast %get3A_349 : i32 to index
      %get3A_351 = arith.index_cast %multiple_of3A : i32 to index
      %get3A_352 = tpu.vector_load %arg7[%get3A_350, %get3A_351] {strides = array<i32>} : memref<20x512xi32, #tpu.memory_space<vmem>>, vector<16xi32>,
      %mul3A_353 = arith.constant 2 : i32
      %mul3A_354 = vector.broadcast %mul3A_353 : i32 to vector<16xi32>
      %mul3A_355 = arith.muli %add3A_348, %mul3A_354 : vector<16xi32>
      %sub3A_356 = arith.constant 1 : i32
      %sub3A_357 = vector.broadcast %sub3A_356 : i32 to vector<16xi32>
      %sub3A_358 = arith.subi %sub3A_357, %get3A_352 : vector<16xi32>
      %shift_right_arithmetic3A_359 = arith.constant 1 : i32
      %shift_right_arithmetic3A_360 = vector.broadcast %shift_right_arithmetic3A_359 : i32 to vector<16xi32>
      %shift_right_arithmetic3A_361 = arith.shrsi %sub3A_358, %shift_right_arithmetic3A_360 : vector<16xi32>
      %add3A_362 = arith.addi %mul3A_355, %shift_right_arithmetic3A_361 : vector<16xi32>
      %get3A_363 = arith.constant 14 : i32
      %get3A_364 = arith.index_cast %get3A_363 : i32 to index
      %get3A_365 = arith.index_cast %multiple_of3A : i32 to index
      %get3A_366 = tpu.vector_load %arg7[%get3A_364, %get3A_365] {strides = array<i32>} : memref<20x512xi32, #tpu.memory_space<vmem>>, vector<16xi32>,
      %mul3A_367 = arith.constant 2 : i32
      %mul3A_368 = vector.broadcast %mul3A_367 : i32 to vector<16xi32>
      %mul3A_369 = arith.muli %add3A_362, %mul3A_368 : vector<16xi32>
      %sub3A_370 = arith.constant 1 : i32
      %sub3A_371 = vector.broadcast %sub3A_370 : i32 to vector<16xi32>
      %sub3A_372 = arith.subi %sub3A_371, %get3A_366 : vector<16xi32>
      %shift_right_arithmetic3A_373 = arith.constant 1 : i32
      %shift_right_arithmetic3A_374 = vector.broadcast %shift_right_arithmetic3A_373 : i32 to vector<16xi32>
      %shift_right_arithmetic3A_375 = arith.shrsi %sub3A_372, %shift_right_arithmetic3A_374 : vector<16xi32>
      %add3A_376 = arith.addi %mul3A_369, %shift_right_arithmetic3A_375 : vector<16xi32>
      %get3A_377 = arith.constant 15 : i32
      %get3A_378 = arith.index_cast %get3A_377 : i32 to index
      %get3A_379 = arith.index_cast %multiple_of3A : i32 to index
      %get3A_380 = tpu.vector_load %arg7[%get3A_378, %get3A_379] {strides = array<i32>} : memref<20x512xi32, #tpu.memory_space<vmem>>, vector<16xi32>,
      %mul3A_381 = arith.constant 2 : i32
      %mul3A_382 = vector.broadcast %mul3A_381 : i32 to vector<16xi32>
      %mul3A_383 = arith.muli %add3A_376, %mul3A_382 : vector<16xi32>
      %sub3A_384 = arith.constant 1 : i32
      %sub3A_385 = vector.broadcast %sub3A_384 : i32 to vector<16xi32>
      %sub3A_386 = arith.subi %sub3A_385, %get3A_380 : vector<16xi32>
      %shift_right_arithmetic3A_387 = arith.constant 1 : i32
      %shift_right_arithmetic3A_388 = vector.broadcast %shift_right_arithmetic3A_387 : i32 to vector<16xi32>
      %shift_right_arithmetic3A_389 = arith.shrsi %sub3A_386, %shift_right_arithmetic3A_388 : vector<16xi32>
      %add3A_390 = arith.addi %mul3A_383, %shift_right_arithmetic3A_389 : vector<16xi32>
      %get3A_391 = arith.constant 16 : i32
      %get3A_392 = arith.index_cast %get3A_391 : i32 to index
      %get3A_393 = arith.index_cast %multiple_of3A : i32 to index
      %get3A_394 = tpu.vector_load %arg7[%get3A_392, %get3A_393] {strides = array<i32>} : memref<20x512xi32, #tpu.memory_space<vmem>>, vector<16xi32>,
      %mul3A_395 = arith.constant 2 : i32
      %mul3A_396 = vector.broadcast %mul3A_395 : i32 to vector<16xi32>
      %mul3A_397 = arith.muli %add3A_390, %mul3A_396 : vector<16xi32>
      %sub3A_398 = arith.constant 1 : i32
      %sub3A_399 = vector.broadcast %sub3A_398 : i32 to vector<16xi32>
      %sub3A_400 = arith.subi %sub3A_399, %get3A_394 : vector<16xi32>
      %shift_right_arithmetic3A_401 = arith.constant 1 : i32
      %shift_right_arithmetic3A_402 = vector.broadcast %shift_right_arithmetic3A_401 : i32 to vector<16xi32>
      %shift_right_arithmetic3A_403 = arith.shrsi %sub3A_400, %shift_right_arithmetic3A_402 : vector<16xi32>
      %add3A_404 = arith.addi %mul3A_397, %shift_right_arithmetic3A_403 : vector<16xi32>
      %get3A_405 = arith.constant 17 : i32
      %get3A_406 = arith.index_cast %get3A_405 : i32 to index
      %get3A_407 = arith.index_cast %multiple_of3A : i32 to index
      %get3A_408 = tpu.vector_load %arg7[%get3A_406, %get3A_407] {strides = array<i32>} : memref<20x512xi32, #tpu.memory_space<vmem>>, vector<16xi32>,
      %mul3A_409 = arith.constant 2 : i32
      %mul3A_410 = vector.broadcast %mul3A_409 : i32 to vector<16xi32>
      %mul3A_411 = arith.muli %add3A_404, %mul3A_410 : vector<16xi32>
      %sub3A_412 = arith.constant 1 : i32
      %sub3A_413 = vector.broadcast %sub3A_412 : i32 to vector<16xi32>
      %sub3A_414 = arith.subi %sub3A_413, %get3A_408 : vector<16xi32>
      %shift_right_arithmetic3A_415 = arith.constant 1 : i32
      %shift_right_arithmetic3A_416 = vector.broadcast %shift_right_arithmetic3A_415 : i32 to vector<16xi32>
      %shift_right_arithmetic3A_417 = arith.shrsi %sub3A_414, %shift_right_arithmetic3A_416 : vector<16xi32>
      %add3A_418 = arith.addi %mul3A_411, %shift_right_arithmetic3A_417 : vector<16xi32>
      %get3A_419 = arith.constant 18 : i32
      %get3A_420 = arith.index_cast %get3A_419 : i32 to index
      %get3A_421 = arith.index_cast %multiple_of3A : i32 to index
      %get3A_422 = tpu.vector_load %arg7[%get3A_420, %get3A_421] {strides = array<i32>} : memref<20x512xi32, #tpu.memory_space<vmem>>, vector<16xi32>,
      %mul3A_423 = arith.constant 2 : i32
      %mul3A_424 = vector.broadcast %mul3A_423 : i32 to vector<16xi32>
      %mul3A_425 = arith.muli %add3A_418, %mul3A_424 : vector<16xi32>
      %sub3A_426 = arith.constant 1 : i32
      %sub3A_427 = vector.broadcast %sub3A_426 : i32 to vector<16xi32>
      %sub3A_428 = arith.subi %sub3A_427, %get3A_422 : vector<16xi32>
      %shift_right_arithmetic3A_429 = arith.constant 1 : i32
      %shift_right_arithmetic3A_430 = vector.broadcast %shift_right_arithmetic3A_429 : i32 to vector<16xi32>
      %shift_right_arithmetic3A_431 = arith.shrsi %sub3A_428, %shift_right_arithmetic3A_430 : vector<16xi32>
      %add3A_432 = arith.addi %mul3A_425, %shift_right_arithmetic3A_431 : vector<16xi32>
      %get3A_433 = arith.constant 19 : i32
      %get3A_434 = arith.index_cast %get3A_433 : i32 to index
      %get3A_435 = arith.index_cast %multiple_of3A : i32 to index
      %get3A_436 = tpu.vector_load %arg7[%get3A_434, %get3A_435] {strides = array<i32>} : memref<20x512xi32, #tpu.memory_space<vmem>>, vector<16xi32>,
      %mul3A_437 = arith.constant 2 : i32
      %mul3A_438 = vector.broadcast %mul3A_437 : i32 to vector<16xi32>
      %mul3A_439 = arith.muli %add3A_432, %mul3A_438 : vector<16xi32>
      %sub3A_440 = arith.constant 1 : i32
      %sub3A_441 = vector.broadcast %sub3A_440 : i32 to vector<16xi32>
      %sub3A_442 = arith.subi %sub3A_441, %get3A_436 : vector<16xi32>
      %shift_right_arithmetic3A_443 = arith.constant 1 : i32
      %shift_right_arithmetic3A_444 = vector.broadcast %shift_right_arithmetic3A_443 : i32 to vector<16xi32>
      %shift_right_arithmetic3A_445 = arith.shrsi %sub3A_442, %shift_right_arithmetic3A_444 : vector<16xi32>
      %add3A_446 = arith.addi %mul3A_439, %shift_right_arithmetic3A_445 : vector<16xi32>
      %swap3A = arith.index_cast %multiple_of3A : i32 to index
      %swap3A_447 = tpu.vector_load %arg8[%swap3A] {strides = array<i32>} : memref<512xi32, #tpu.memory_space<vmem>>, vector<16xi32>,
      tpu.vector_store %arg8[%swap3A], %add3A_446 {strides = array<i32>} : memref<512xi32, #tpu.memory_space<vmem>>, vector<16xi32>,
    }
    %scan3A_37 = arith.constant 8 : i32
    %dma_start3A_38 = arith.constant 0 : i32
    %dma_start3A_39 = tpu.memref_slice %arg9[%dma_start3A_38] : memref<512xf32, #tpu.memory_space<vmem>> -> memref<128xf32, #tpu.memory_space<vmem>>
    %dma_start3A_40 = arith.constant 0 : i32
    %dma_start3A_41 = tpu.memref_slice %arg8[%dma_start3A_40] : memref<512xi32, #tpu.memory_space<vmem>> -> memref<128xi32, #tpu.memory_space<vmem>>
    %dma_start3A_42 = arith.constant 0 : i32
    %dma_start3A_43 = tpu.memref_slice %arg3[%dma_start3A_42] : memref<1048576xf32, #tpu.memory_space<hbm>> -> memref<1048576xf32, #tpu.memory_space<hbm>>
    tpu.enqueue_indirect_dma source(%dma_start3A_43 : memref<1048576xf32, #tpu.memory_space<hbm>>) target(%dma_start3A_39 : memref<128xf32, #tpu.memory_space<vmem>>) offsets(%dma_start3A_41 : memref<128xi32, #tpu.memory_space<vmem>>) semaphore(%arg11 : memref<!tpu.dma_semaphore, #tpu.memory_space<semaphore_mem>>)
    %dma_start3A_44 = arith.constant 0 : i32
    %dma_start3A_45 = tpu.memref_slice %arg10[%dma_start3A_44] : memref<512xf32, #tpu.memory_space<vmem>> -> memref<128xf32, #tpu.memory_space<vmem>>
    %dma_start3A_46 = arith.constant 0 : i32
    %dma_start3A_47 = tpu.memref_slice %arg8[%dma_start3A_46] : memref<512xi32, #tpu.memory_space<vmem>> -> memref<128xi32, #tpu.memory_space<vmem>>
    %dma_start3A_48 = arith.constant 0 : i32
    %dma_start3A_49 = tpu.memref_slice %arg4[%dma_start3A_48] : memref<1048576xf32, #tpu.memory_space<hbm>> -> memref<1048576xf32, #tpu.memory_space<hbm>>
    tpu.enqueue_indirect_dma source(%dma_start3A_49 : memref<1048576xf32, #tpu.memory_space<hbm>>) target(%dma_start3A_45 : memref<128xf32, #tpu.memory_space<vmem>>) offsets(%dma_start3A_47 : memref<128xi32, #tpu.memory_space<vmem>>) semaphore(%arg12 : memref<!tpu.dma_semaphore, #tpu.memory_space<semaphore_mem>>)
    %scan3A_50 = arith.constant 0 : i32
    %scan3A_51 = arith.constant 8 : i32
    %scan3A_52 = arith.constant 8 : i32
    %scan3A_53 = arith.addi %scan3A_51, %scan3A_52 : i32
    %scan3A_54 = arith.constant 1 : i32
    scf.for %scan3A_166 = %scan3A_51 to %scan3A_53 step %scan3A_54  : i32 {
      %mul3A_167 = arith.constant 16 : i32
      %mul3A_168 = arith.muli %scan3A_166, %mul3A_167 : i32
      %multiple_of3A = tpu.assume_multiple %mul3A_168, 16 : i32
      %broadcast_in_dim3A = arith.constant 0 : i32
      %broadcast_in_dim3A_169 = vector.broadcast %broadcast_in_dim3A : i32 to vector<16xi32>
      %get3A = arith.constant 0 : i32
      %get3A_170 = arith.index_cast %get3A : i32 to index
      %get3A_171 = arith.index_cast %multiple_of3A : i32 to index
      %get3A_172 = tpu.vector_load %arg7[%get3A_170, %get3A_171] {strides = array<i32>} : memref<20x512xi32, #tpu.memory_space<vmem>>, vector<16xi32>,
      %mul3A_173 = arith.constant 2 : i32
      %mul3A_174 = vector.broadcast %mul3A_173 : i32 to vector<16xi32>
      %mul3A_175 = arith.muli %broadcast_in_dim3A_169, %mul3A_174 : vector<16xi32>
      %sub3A = arith.constant 1 : i32
      %sub3A_176 = vector.broadcast %sub3A : i32 to vector<16xi32>
      %sub3A_177 = arith.subi %sub3A_176, %get3A_172 : vector<16xi32>
      %shift_right_arithmetic3A = arith.constant 1 : i32
      %shift_right_arithmetic3A_178 = vector.broadcast %shift_right_arithmetic3A : i32 to vector<16xi32>
      %shift_right_arithmetic3A_179 = arith.shrsi %sub3A_177, %shift_right_arithmetic3A_178 : vector<16xi32>
      %add3A_180 = arith.addi %mul3A_175, %shift_right_arithmetic3A_179 : vector<16xi32>
      %get3A_181 = arith.constant 1 : i32
      %get3A_182 = arith.index_cast %get3A_181 : i32 to index
      %get3A_183 = arith.index_cast %multiple_of3A : i32 to index
      %get3A_184 = tpu.vector_load %arg7[%get3A_182, %get3A_183] {strides = array<i32>} : memref<20x512xi32, #tpu.memory_space<vmem>>, vector<16xi32>,
      %mul3A_185 = arith.constant 2 : i32
      %mul3A_186 = vector.broadcast %mul3A_185 : i32 to vector<16xi32>
      %mul3A_187 = arith.muli %add3A_180, %mul3A_186 : vector<16xi32>
      %sub3A_188 = arith.constant 1 : i32
      %sub3A_189 = vector.broadcast %sub3A_188 : i32 to vector<16xi32>
      %sub3A_190 = arith.subi %sub3A_189, %get3A_184 : vector<16xi32>
      %shift_right_arithmetic3A_191 = arith.constant 1 : i32
      %shift_right_arithmetic3A_192 = vector.broadcast %shift_right_arithmetic3A_191 : i32 to vector<16xi32>
      %shift_right_arithmetic3A_193 = arith.shrsi %sub3A_190, %shift_right_arithmetic3A_192 : vector<16xi32>
      %add3A_194 = arith.addi %mul3A_187, %shift_right_arithmetic3A_193 : vector<16xi32>
      %get3A_195 = arith.constant 2 : i32
      %get3A_196 = arith.index_cast %get3A_195 : i32 to index
      %get3A_197 = arith.index_cast %multiple_of3A : i32 to index
      %get3A_198 = tpu.vector_load %arg7[%get3A_196, %get3A_197] {strides = array<i32>} : memref<20x512xi32, #tpu.memory_space<vmem>>, vector<16xi32>,
      %mul3A_199 = arith.constant 2 : i32
      %mul3A_200 = vector.broadcast %mul3A_199 : i32 to vector<16xi32>
      %mul3A_201 = arith.muli %add3A_194, %mul3A_200 : vector<16xi32>
      %sub3A_202 = arith.constant 1 : i32
      %sub3A_203 = vector.broadcast %sub3A_202 : i32 to vector<16xi32>
      %sub3A_204 = arith.subi %sub3A_203, %get3A_198 : vector<16xi32>
      %shift_right_arithmetic3A_205 = arith.constant 1 : i32
      %shift_right_arithmetic3A_206 = vector.broadcast %shift_right_arithmetic3A_205 : i32 to vector<16xi32>
      %shift_right_arithmetic3A_207 = arith.shrsi %sub3A_204, %shift_right_arithmetic3A_206 : vector<16xi32>
      %add3A_208 = arith.addi %mul3A_201, %shift_right_arithmetic3A_207 : vector<16xi32>
      %get3A_209 = arith.constant 3 : i32
      %get3A_210 = arith.index_cast %get3A_209 : i32 to index
      %get3A_211 = arith.index_cast %multiple_of3A : i32 to index
      %get3A_212 = tpu.vector_load %arg7[%get3A_210, %get3A_211] {strides = array<i32>} : memref<20x512xi32, #tpu.memory_space<vmem>>, vector<16xi32>,
      %mul3A_213 = arith.constant 2 : i32
      %mul3A_214 = vector.broadcast %mul3A_213 : i32 to vector<16xi32>
      %mul3A_215 = arith.muli %add3A_208, %mul3A_214 : vector<16xi32>
      %sub3A_216 = arith.constant 1 : i32
      %sub3A_217 = vector.broadcast %sub3A_216 : i32 to vector<16xi32>
      %sub3A_218 = arith.subi %sub3A_217, %get3A_212 : vector<16xi32>
      %shift_right_arithmetic3A_219 = arith.constant 1 : i32
      %shift_right_arithmetic3A_220 = vector.broadcast %shift_right_arithmetic3A_219 : i32 to vector<16xi32>
      %shift_right_arithmetic3A_221 = arith.shrsi %sub3A_218, %shift_right_arithmetic3A_220 : vector<16xi32>
      %add3A_222 = arith.addi %mul3A_215, %shift_right_arithmetic3A_221 : vector<16xi32>
      %get3A_223 = arith.constant 4 : i32
      %get3A_224 = arith.index_cast %get3A_223 : i32 to index
      %get3A_225 = arith.index_cast %multiple_of3A : i32 to index
      %get3A_226 = tpu.vector_load %arg7[%get3A_224, %get3A_225] {strides = array<i32>} : memref<20x512xi32, #tpu.memory_space<vmem>>, vector<16xi32>,
      %mul3A_227 = arith.constant 2 : i32
      %mul3A_228 = vector.broadcast %mul3A_227 : i32 to vector<16xi32>
      %mul3A_229 = arith.muli %add3A_222, %mul3A_228 : vector<16xi32>
      %sub3A_230 = arith.constant 1 : i32
      %sub3A_231 = vector.broadcast %sub3A_230 : i32 to vector<16xi32>
      %sub3A_232 = arith.subi %sub3A_231, %get3A_226 : vector<16xi32>
      %shift_right_arithmetic3A_233 = arith.constant 1 : i32
      %shift_right_arithmetic3A_234 = vector.broadcast %shift_right_arithmetic3A_233 : i32 to vector<16xi32>
      %shift_right_arithmetic3A_235 = arith.shrsi %sub3A_232, %shift_right_arithmetic3A_234 : vector<16xi32>
      %add3A_236 = arith.addi %mul3A_229, %shift_right_arithmetic3A_235 : vector<16xi32>
      %get3A_237 = arith.constant 5 : i32
      %get3A_238 = arith.index_cast %get3A_237 : i32 to index
      %get3A_239 = arith.index_cast %multiple_of3A : i32 to index
      %get3A_240 = tpu.vector_load %arg7[%get3A_238, %get3A_239] {strides = array<i32>} : memref<20x512xi32, #tpu.memory_space<vmem>>, vector<16xi32>,
      %mul3A_241 = arith.constant 2 : i32
      %mul3A_242 = vector.broadcast %mul3A_241 : i32 to vector<16xi32>
      %mul3A_243 = arith.muli %add3A_236, %mul3A_242 : vector<16xi32>
      %sub3A_244 = arith.constant 1 : i32
      %sub3A_245 = vector.broadcast %sub3A_244 : i32 to vector<16xi32>
      %sub3A_246 = arith.subi %sub3A_245, %get3A_240 : vector<16xi32>
      %shift_right_arithmetic3A_247 = arith.constant 1 : i32
      %shift_right_arithmetic3A_248 = vector.broadcast %shift_right_arithmetic3A_247 : i32 to vector<16xi32>
      %shift_right_arithmetic3A_249 = arith.shrsi %sub3A_246, %shift_right_arithmetic3A_248 : vector<16xi32>
      %add3A_250 = arith.addi %mul3A_243, %shift_right_arithmetic3A_249 : vector<16xi32>
      %get3A_251 = arith.constant 6 : i32
      %get3A_252 = arith.index_cast %get3A_251 : i32 to index
      %get3A_253 = arith.index_cast %multiple_of3A : i32 to index
      %get3A_254 = tpu.vector_load %arg7[%get3A_252, %get3A_253] {strides = array<i32>} : memref<20x512xi32, #tpu.memory_space<vmem>>, vector<16xi32>,
      %mul3A_255 = arith.constant 2 : i32
      %mul3A_256 = vector.broadcast %mul3A_255 : i32 to vector<16xi32>
      %mul3A_257 = arith.muli %add3A_250, %mul3A_256 : vector<16xi32>
      %sub3A_258 = arith.constant 1 : i32
      %sub3A_259 = vector.broadcast %sub3A_258 : i32 to vector<16xi32>
      %sub3A_260 = arith.subi %sub3A_259, %get3A_254 : vector<16xi32>
      %shift_right_arithmetic3A_261 = arith.constant 1 : i32
      %shift_right_arithmetic3A_262 = vector.broadcast %shift_right_arithmetic3A_261 : i32 to vector<16xi32>
      %shift_right_arithmetic3A_263 = arith.shrsi %sub3A_260, %shift_right_arithmetic3A_262 : vector<16xi32>
      %add3A_264 = arith.addi %mul3A_257, %shift_right_arithmetic3A_263 : vector<16xi32>
      %get3A_265 = arith.constant 7 : i32
      %get3A_266 = arith.index_cast %get3A_265 : i32 to index
      %get3A_267 = arith.index_cast %multiple_of3A : i32 to index
      %get3A_268 = tpu.vector_load %arg7[%get3A_266, %get3A_267] {strides = array<i32>} : memref<20x512xi32, #tpu.memory_space<vmem>>, vector<16xi32>,
      %mul3A_269 = arith.constant 2 : i32
      %mul3A_270 = vector.broadcast %mul3A_269 : i32 to vector<16xi32>
      %mul3A_271 = arith.muli %add3A_264, %mul3A_270 : vector<16xi32>
      %sub3A_272 = arith.constant 1 : i32
      %sub3A_273 = vector.broadcast %sub3A_272 : i32 to vector<16xi32>
      %sub3A_274 = arith.subi %sub3A_273, %get3A_268 : vector<16xi32>
      %shift_right_arithmetic3A_275 = arith.constant 1 : i32
      %shift_right_arithmetic3A_276 = vector.broadcast %shift_right_arithmetic3A_275 : i32 to vector<16xi32>
      %shift_right_arithmetic3A_277 = arith.shrsi %sub3A_274, %shift_right_arithmetic3A_276 : vector<16xi32>
      %add3A_278 = arith.addi %mul3A_271, %shift_right_arithmetic3A_277 : vector<16xi32>
      %get3A_279 = arith.constant 8 : i32
      %get3A_280 = arith.index_cast %get3A_279 : i32 to index
      %get3A_281 = arith.index_cast %multiple_of3A : i32 to index
      %get3A_282 = tpu.vector_load %arg7[%get3A_280, %get3A_281] {strides = array<i32>} : memref<20x512xi32, #tpu.memory_space<vmem>>, vector<16xi32>,
      %mul3A_283 = arith.constant 2 : i32
      %mul3A_284 = vector.broadcast %mul3A_283 : i32 to vector<16xi32>
      %mul3A_285 = arith.muli %add3A_278, %mul3A_284 : vector<16xi32>
      %sub3A_286 = arith.constant 1 : i32
      %sub3A_287 = vector.broadcast %sub3A_286 : i32 to vector<16xi32>
      %sub3A_288 = arith.subi %sub3A_287, %get3A_282 : vector<16xi32>
      %shift_right_arithmetic3A_289 = arith.constant 1 : i32
      %shift_right_arithmetic3A_290 = vector.broadcast %shift_right_arithmetic3A_289 : i32 to vector<16xi32>
      %shift_right_arithmetic3A_291 = arith.shrsi %sub3A_288, %shift_right_arithmetic3A_290 : vector<16xi32>
      %add3A_292 = arith.addi %mul3A_285, %shift_right_arithmetic3A_291 : vector<16xi32>
      %get3A_293 = arith.constant 9 : i32
      %get3A_294 = arith.index_cast %get3A_293 : i32 to index
      %get3A_295 = arith.index_cast %multiple_of3A : i32 to index
      %get3A_296 = tpu.vector_load %arg7[%get3A_294, %get3A_295] {strides = array<i32>} : memref<20x512xi32, #tpu.memory_space<vmem>>, vector<16xi32>,
      %mul3A_297 = arith.constant 2 : i32
      %mul3A_298 = vector.broadcast %mul3A_297 : i32 to vector<16xi32>
      %mul3A_299 = arith.muli %add3A_292, %mul3A_298 : vector<16xi32>
      %sub3A_300 = arith.constant 1 : i32
      %sub3A_301 = vector.broadcast %sub3A_300 : i32 to vector<16xi32>
      %sub3A_302 = arith.subi %sub3A_301, %get3A_296 : vector<16xi32>
      %shift_right_arithmetic3A_303 = arith.constant 1 : i32
      %shift_right_arithmetic3A_304 = vector.broadcast %shift_right_arithmetic3A_303 : i32 to vector<16xi32>
      %shift_right_arithmetic3A_305 = arith.shrsi %sub3A_302, %shift_right_arithmetic3A_304 : vector<16xi32>
      %add3A_306 = arith.addi %mul3A_299, %shift_right_arithmetic3A_305 : vector<16xi32>
      %get3A_307 = arith.constant 10 : i32
      %get3A_308 = arith.index_cast %get3A_307 : i32 to index
      %get3A_309 = arith.index_cast %multiple_of3A : i32 to index
      %get3A_310 = tpu.vector_load %arg7[%get3A_308, %get3A_309] {strides = array<i32>} : memref<20x512xi32, #tpu.memory_space<vmem>>, vector<16xi32>,
      %mul3A_311 = arith.constant 2 : i32
      %mul3A_312 = vector.broadcast %mul3A_311 : i32 to vector<16xi32>
      %mul3A_313 = arith.muli %add3A_306, %mul3A_312 : vector<16xi32>
      %sub3A_314 = arith.constant 1 : i32
      %sub3A_315 = vector.broadcast %sub3A_314 : i32 to vector<16xi32>
      %sub3A_316 = arith.subi %sub3A_315, %get3A_310 : vector<16xi32>
      %shift_right_arithmetic3A_317 = arith.constant 1 : i32
      %shift_right_arithmetic3A_318 = vector.broadcast %shift_right_arithmetic3A_317 : i32 to vector<16xi32>
      %shift_right_arithmetic3A_319 = arith.shrsi %sub3A_316, %shift_right_arithmetic3A_318 : vector<16xi32>
      %add3A_320 = arith.addi %mul3A_313, %shift_right_arithmetic3A_319 : vector<16xi32>
      %get3A_321 = arith.constant 11 : i32
      %get3A_322 = arith.index_cast %get3A_321 : i32 to index
      %get3A_323 = arith.index_cast %multiple_of3A : i32 to index
      %get3A_324 = tpu.vector_load %arg7[%get3A_322, %get3A_323] {strides = array<i32>} : memref<20x512xi32, #tpu.memory_space<vmem>>, vector<16xi32>,
      %mul3A_325 = arith.constant 2 : i32
      %mul3A_326 = vector.broadcast %mul3A_325 : i32 to vector<16xi32>
      %mul3A_327 = arith.muli %add3A_320, %mul3A_326 : vector<16xi32>
      %sub3A_328 = arith.constant 1 : i32
      %sub3A_329 = vector.broadcast %sub3A_328 : i32 to vector<16xi32>
      %sub3A_330 = arith.subi %sub3A_329, %get3A_324 : vector<16xi32>
      %shift_right_arithmetic3A_331 = arith.constant 1 : i32
      %shift_right_arithmetic3A_332 = vector.broadcast %shift_right_arithmetic3A_331 : i32 to vector<16xi32>
      %shift_right_arithmetic3A_333 = arith.shrsi %sub3A_330, %shift_right_arithmetic3A_332 : vector<16xi32>
      %add3A_334 = arith.addi %mul3A_327, %shift_right_arithmetic3A_333 : vector<16xi32>
      %get3A_335 = arith.constant 12 : i32
      %get3A_336 = arith.index_cast %get3A_335 : i32 to index
      %get3A_337 = arith.index_cast %multiple_of3A : i32 to index
      %get3A_338 = tpu.vector_load %arg7[%get3A_336, %get3A_337] {strides = array<i32>} : memref<20x512xi32, #tpu.memory_space<vmem>>, vector<16xi32>,
      %mul3A_339 = arith.constant 2 : i32
      %mul3A_340 = vector.broadcast %mul3A_339 : i32 to vector<16xi32>
      %mul3A_341 = arith.muli %add3A_334, %mul3A_340 : vector<16xi32>
      %sub3A_342 = arith.constant 1 : i32
      %sub3A_343 = vector.broadcast %sub3A_342 : i32 to vector<16xi32>
      %sub3A_344 = arith.subi %sub3A_343, %get3A_338 : vector<16xi32>
      %shift_right_arithmetic3A_345 = arith.constant 1 : i32
      %shift_right_arithmetic3A_346 = vector.broadcast %shift_right_arithmetic3A_345 : i32 to vector<16xi32>
      %shift_right_arithmetic3A_347 = arith.shrsi %sub3A_344, %shift_right_arithmetic3A_346 : vector<16xi32>
      %add3A_348 = arith.addi %mul3A_341, %shift_right_arithmetic3A_347 : vector<16xi32>
      %get3A_349 = arith.constant 13 : i32
      %get3A_350 = arith.index_cast %get3A_349 : i32 to index
      %get3A_351 = arith.index_cast %multiple_of3A : i32 to index
      %get3A_352 = tpu.vector_load %arg7[%get3A_350, %get3A_351] {strides = array<i32>} : memref<20x512xi32, #tpu.memory_space<vmem>>, vector<16xi32>,
      %mul3A_353 = arith.constant 2 : i32
      %mul3A_354 = vector.broadcast %mul3A_353 : i32 to vector<16xi32>
      %mul3A_355 = arith.muli %add3A_348, %mul3A_354 : vector<16xi32>
      %sub3A_356 = arith.constant 1 : i32
      %sub3A_357 = vector.broadcast %sub3A_356 : i32 to vector<16xi32>
      %sub3A_358 = arith.subi %sub3A_357, %get3A_352 : vector<16xi32>
      %shift_right_arithmetic3A_359 = arith.constant 1 : i32
      %shift_right_arithmetic3A_360 = vector.broadcast %shift_right_arithmetic3A_359 : i32 to vector<16xi32>
      %shift_right_arithmetic3A_361 = arith.shrsi %sub3A_358, %shift_right_arithmetic3A_360 : vector<16xi32>
      %add3A_362 = arith.addi %mul3A_355, %shift_right_arithmetic3A_361 : vector<16xi32>
      %get3A_363 = arith.constant 14 : i32
      %get3A_364 = arith.index_cast %get3A_363 : i32 to index
      %get3A_365 = arith.index_cast %multiple_of3A : i32 to index
      %get3A_366 = tpu.vector_load %arg7[%get3A_364, %get3A_365] {strides = array<i32>} : memref<20x512xi32, #tpu.memory_space<vmem>>, vector<16xi32>,
      %mul3A_367 = arith.constant 2 : i32
      %mul3A_368 = vector.broadcast %mul3A_367 : i32 to vector<16xi32>
      %mul3A_369 = arith.muli %add3A_362, %mul3A_368 : vector<16xi32>
      %sub3A_370 = arith.constant 1 : i32
      %sub3A_371 = vector.broadcast %sub3A_370 : i32 to vector<16xi32>
      %sub3A_372 = arith.subi %sub3A_371, %get3A_366 : vector<16xi32>
      %shift_right_arithmetic3A_373 = arith.constant 1 : i32
      %shift_right_arithmetic3A_374 = vector.broadcast %shift_right_arithmetic3A_373 : i32 to vector<16xi32>
      %shift_right_arithmetic3A_375 = arith.shrsi %sub3A_372, %shift_right_arithmetic3A_374 : vector<16xi32>
      %add3A_376 = arith.addi %mul3A_369, %shift_right_arithmetic3A_375 : vector<16xi32>
      %get3A_377 = arith.constant 15 : i32
      %get3A_378 = arith.index_cast %get3A_377 : i32 to index
      %get3A_379 = arith.index_cast %multiple_of3A : i32 to index
      %get3A_380 = tpu.vector_load %arg7[%get3A_378, %get3A_379] {strides = array<i32>} : memref<20x512xi32, #tpu.memory_space<vmem>>, vector<16xi32>,
      %mul3A_381 = arith.constant 2 : i32
      %mul3A_382 = vector.broadcast %mul3A_381 : i32 to vector<16xi32>
      %mul3A_383 = arith.muli %add3A_376, %mul3A_382 : vector<16xi32>
      %sub3A_384 = arith.constant 1 : i32
      %sub3A_385 = vector.broadcast %sub3A_384 : i32 to vector<16xi32>
      %sub3A_386 = arith.subi %sub3A_385, %get3A_380 : vector<16xi32>
      %shift_right_arithmetic3A_387 = arith.constant 1 : i32
      %shift_right_arithmetic3A_388 = vector.broadcast %shift_right_arithmetic3A_387 : i32 to vector<16xi32>
      %shift_right_arithmetic3A_389 = arith.shrsi %sub3A_386, %shift_right_arithmetic3A_388 : vector<16xi32>
      %add3A_390 = arith.addi %mul3A_383, %shift_right_arithmetic3A_389 : vector<16xi32>
      %get3A_391 = arith.constant 16 : i32
      %get3A_392 = arith.index_cast %get3A_391 : i32 to index
      %get3A_393 = arith.index_cast %multiple_of3A : i32 to index
      %get3A_394 = tpu.vector_load %arg7[%get3A_392, %get3A_393] {strides = array<i32>} : memref<20x512xi32, #tpu.memory_space<vmem>>, vector<16xi32>,
      %mul3A_395 = arith.constant 2 : i32
      %mul3A_396 = vector.broadcast %mul3A_395 : i32 to vector<16xi32>
      %mul3A_397 = arith.muli %add3A_390, %mul3A_396 : vector<16xi32>
      %sub3A_398 = arith.constant 1 : i32
      %sub3A_399 = vector.broadcast %sub3A_398 : i32 to vector<16xi32>
      %sub3A_400 = arith.subi %sub3A_399, %get3A_394 : vector<16xi32>
      %shift_right_arithmetic3A_401 = arith.constant 1 : i32
      %shift_right_arithmetic3A_402 = vector.broadcast %shift_right_arithmetic3A_401 : i32 to vector<16xi32>
      %shift_right_arithmetic3A_403 = arith.shrsi %sub3A_400, %shift_right_arithmetic3A_402 : vector<16xi32>
      %add3A_404 = arith.addi %mul3A_397, %shift_right_arithmetic3A_403 : vector<16xi32>
      %get3A_405 = arith.constant 17 : i32
      %get3A_406 = arith.index_cast %get3A_405 : i32 to index
      %get3A_407 = arith.index_cast %multiple_of3A : i32 to index
      %get3A_408 = tpu.vector_load %arg7[%get3A_406, %get3A_407] {strides = array<i32>} : memref<20x512xi32, #tpu.memory_space<vmem>>, vector<16xi32>,
      %mul3A_409 = arith.constant 2 : i32
      %mul3A_410 = vector.broadcast %mul3A_409 : i32 to vector<16xi32>
      %mul3A_411 = arith.muli %add3A_404, %mul3A_410 : vector<16xi32>
      %sub3A_412 = arith.constant 1 : i32
      %sub3A_413 = vector.broadcast %sub3A_412 : i32 to vector<16xi32>
      %sub3A_414 = arith.subi %sub3A_413, %get3A_408 : vector<16xi32>
      %shift_right_arithmetic3A_415 = arith.constant 1 : i32
      %shift_right_arithmetic3A_416 = vector.broadcast %shift_right_arithmetic3A_415 : i32 to vector<16xi32>
      %shift_right_arithmetic3A_417 = arith.shrsi %sub3A_414, %shift_right_arithmetic3A_416 : vector<16xi32>
      %add3A_418 = arith.addi %mul3A_411, %shift_right_arithmetic3A_417 : vector<16xi32>
      %get3A_419 = arith.constant 18 : i32
      %get3A_420 = arith.index_cast %get3A_419 : i32 to index
      %get3A_421 = arith.index_cast %multiple_of3A : i32 to index
      %get3A_422 = tpu.vector_load %arg7[%get3A_420, %get3A_421] {strides = array<i32>} : memref<20x512xi32, #tpu.memory_space<vmem>>, vector<16xi32>,
      %mul3A_423 = arith.constant 2 : i32
      %mul3A_424 = vector.broadcast %mul3A_423 : i32 to vector<16xi32>
      %mul3A_425 = arith.muli %add3A_418, %mul3A_424 : vector<16xi32>
      %sub3A_426 = arith.constant 1 : i32
      %sub3A_427 = vector.broadcast %sub3A_426 : i32 to vector<16xi32>
      %sub3A_428 = arith.subi %sub3A_427, %get3A_422 : vector<16xi32>
      %shift_right_arithmetic3A_429 = arith.constant 1 : i32
      %shift_right_arithmetic3A_430 = vector.broadcast %shift_right_arithmetic3A_429 : i32 to vector<16xi32>
      %shift_right_arithmetic3A_431 = arith.shrsi %sub3A_428, %shift_right_arithmetic3A_430 : vector<16xi32>
      %add3A_432 = arith.addi %mul3A_425, %shift_right_arithmetic3A_431 : vector<16xi32>
      %get3A_433 = arith.constant 19 : i32
      %get3A_434 = arith.index_cast %get3A_433 : i32 to index
      %get3A_435 = arith.index_cast %multiple_of3A : i32 to index
      %get3A_436 = tpu.vector_load %arg7[%get3A_434, %get3A_435] {strides = array<i32>} : memref<20x512xi32, #tpu.memory_space<vmem>>, vector<16xi32>,
      %mul3A_437 = arith.constant 2 : i32
      %mul3A_438 = vector.broadcast %mul3A_437 : i32 to vector<16xi32>
      %mul3A_439 = arith.muli %add3A_432, %mul3A_438 : vector<16xi32>
      %sub3A_440 = arith.constant 1 : i32
      %sub3A_441 = vector.broadcast %sub3A_440 : i32 to vector<16xi32>
      %sub3A_442 = arith.subi %sub3A_441, %get3A_436 : vector<16xi32>
      %shift_right_arithmetic3A_443 = arith.constant 1 : i32
      %shift_right_arithmetic3A_444 = vector.broadcast %shift_right_arithmetic3A_443 : i32 to vector<16xi32>
      %shift_right_arithmetic3A_445 = arith.shrsi %sub3A_442, %shift_right_arithmetic3A_444 : vector<16xi32>
      %add3A_446 = arith.addi %mul3A_439, %shift_right_arithmetic3A_445 : vector<16xi32>
      %swap3A = arith.index_cast %multiple_of3A : i32 to index
      %swap3A_447 = tpu.vector_load %arg8[%swap3A] {strides = array<i32>} : memref<512xi32, #tpu.memory_space<vmem>>, vector<16xi32>,
      tpu.vector_store %arg8[%swap3A], %add3A_446 {strides = array<i32>} : memref<512xi32, #tpu.memory_space<vmem>>, vector<16xi32>,
    }
    %scan3A_55 = arith.constant 8 : i32
    %dma_start3A_56 = arith.constant 128 : i32
    %dma_start3A_57 = tpu.memref_slice %arg9[%dma_start3A_56] : memref<512xf32, #tpu.memory_space<vmem>> -> memref<128xf32, #tpu.memory_space<vmem>>
    %dma_start3A_58 = arith.constant 128 : i32
    %dma_start3A_59 = tpu.memref_slice %arg8[%dma_start3A_58] : memref<512xi32, #tpu.memory_space<vmem>> -> memref<128xi32, #tpu.memory_space<vmem>>
    %dma_start3A_60 = arith.constant 0 : i32
    %dma_start3A_61 = tpu.memref_slice %arg3[%dma_start3A_60] : memref<1048576xf32, #tpu.memory_space<hbm>> -> memref<1048576xf32, #tpu.memory_space<hbm>>
    tpu.enqueue_indirect_dma source(%dma_start3A_61 : memref<1048576xf32, #tpu.memory_space<hbm>>) target(%dma_start3A_57 : memref<128xf32, #tpu.memory_space<vmem>>) offsets(%dma_start3A_59 : memref<128xi32, #tpu.memory_space<vmem>>) semaphore(%arg11 : memref<!tpu.dma_semaphore, #tpu.memory_space<semaphore_mem>>)
    %dma_start3A_62 = arith.constant 128 : i32
    %dma_start3A_63 = tpu.memref_slice %arg10[%dma_start3A_62] : memref<512xf32, #tpu.memory_space<vmem>> -> memref<128xf32, #tpu.memory_space<vmem>>
    %dma_start3A_64 = arith.constant 128 : i32
    %dma_start3A_65 = tpu.memref_slice %arg8[%dma_start3A_64] : memref<512xi32, #tpu.memory_space<vmem>> -> memref<128xi32, #tpu.memory_space<vmem>>
    %dma_start3A_66 = arith.constant 0 : i32
    %dma_start3A_67 = tpu.memref_slice %arg4[%dma_start3A_66] : memref<1048576xf32, #tpu.memory_space<hbm>> -> memref<1048576xf32, #tpu.memory_space<hbm>>
    tpu.enqueue_indirect_dma source(%dma_start3A_67 : memref<1048576xf32, #tpu.memory_space<hbm>>) target(%dma_start3A_63 : memref<128xf32, #tpu.memory_space<vmem>>) offsets(%dma_start3A_65 : memref<128xi32, #tpu.memory_space<vmem>>) semaphore(%arg12 : memref<!tpu.dma_semaphore, #tpu.memory_space<semaphore_mem>>)
    %dma_wait3A_68 = arith.constant 0 : i32
    %dma_wait3A_69 = arith.constant 256 : i32
    %dma_wait3A_70 = tpu.memref_slice %arg7[%dma_wait3A_68, %dma_wait3A_69] : memref<20x512xi32, #tpu.memory_space<vmem>> -> memref<20x256xi32, #tpu.memory_space<vmem>>
    %dma_wait3A_71 = arith.constant 0 : i32
    %dma_wait3A_72 = tpu.memref_slice %arg2[%dma_wait3A_71, %add3A_13] : memref<20x16384xi32, #tpu.memory_space<hbm>> -> memref<20x256xi32, #tpu.memory_space<hbm>>
    %dma_wait3A_73 = arith.constant 0 : i32
    %dma_wait3A_74 = arith.constant 256 : i32
    %dma_wait3A_75 = tpu.memref_slice %arg7[%dma_wait3A_73, %dma_wait3A_74] : memref<20x512xi32, #tpu.memory_space<vmem>> -> memref<20x256xi32, #tpu.memory_space<vmem>>
    %dma_wait3A_76 = arith.constant 0 : i32
    %dma_wait3A_77 = tpu.memref_slice %arg2[%dma_wait3A_76, %add3A_13] : memref<20x16384xi32, #tpu.memory_space<hbm>> -> memref<20x256xi32, #tpu.memory_space<hbm>>
    tpu.wait_dma2 semaphore(%arg12 : memref<!tpu.dma_semaphore, #tpu.memory_space<semaphore_mem>>) src(%dma_wait3A_77 : memref<20x256xi32, #tpu.memory_space<hbm>>) dst(%dma_wait3A_75 : memref<20x256xi32, #tpu.memory_space<vmem>>)
    %scan3A_78 = arith.constant 0 : i32
    %scan3A_79 = arith.constant 16 : i32
    %scan3A_80 = arith.constant 8 : i32
    %scan3A_81 = arith.addi %scan3A_79, %scan3A_80 : i32
    %scan3A_82 = arith.constant 1 : i32
    scf.for %scan3A_166 = %scan3A_79 to %scan3A_81 step %scan3A_82  : i32 {
      %mul3A_167 = arith.constant 16 : i32
      %mul3A_168 = arith.muli %scan3A_166, %mul3A_167 : i32
      %multiple_of3A = tpu.assume_multiple %mul3A_168, 16 : i32
      %broadcast_in_dim3A = arith.constant 0 : i32
      %broadcast_in_dim3A_169 = vector.broadcast %broadcast_in_dim3A : i32 to vector<16xi32>
      %get3A = arith.constant 0 : i32
      %get3A_170 = arith.index_cast %get3A : i32 to index
      %get3A_171 = arith.index_cast %multiple_of3A : i32 to index
      %get3A_172 = tpu.vector_load %arg7[%get3A_170, %get3A_171] {strides = array<i32>} : memref<20x512xi32, #tpu.memory_space<vmem>>, vector<16xi32>,
      %mul3A_173 = arith.constant 2 : i32
      %mul3A_174 = vector.broadcast %mul3A_173 : i32 to vector<16xi32>
      %mul3A_175 = arith.muli %broadcast_in_dim3A_169, %mul3A_174 : vector<16xi32>
      %sub3A = arith.constant 1 : i32
      %sub3A_176 = vector.broadcast %sub3A : i32 to vector<16xi32>
      %sub3A_177 = arith.subi %sub3A_176, %get3A_172 : vector<16xi32>
      %shift_right_arithmetic3A = arith.constant 1 : i32
      %shift_right_arithmetic3A_178 = vector.broadcast %shift_right_arithmetic3A : i32 to vector<16xi32>
      %shift_right_arithmetic3A_179 = arith.shrsi %sub3A_177, %shift_right_arithmetic3A_178 : vector<16xi32>
      %add3A_180 = arith.addi %mul3A_175, %shift_right_arithmetic3A_179 : vector<16xi32>
      %get3A_181 = arith.constant 1 : i32
      %get3A_182 = arith.index_cast %get3A_181 : i32 to index
      %get3A_183 = arith.index_cast %multiple_of3A : i32 to index
      %get3A_184 = tpu.vector_load %arg7[%get3A_182, %get3A_183] {strides = array<i32>} : memref<20x512xi32, #tpu.memory_space<vmem>>, vector<16xi32>,
      %mul3A_185 = arith.constant 2 : i32
      %mul3A_186 = vector.broadcast %mul3A_185 : i32 to vector<16xi32>
      %mul3A_187 = arith.muli %add3A_180, %mul3A_186 : vector<16xi32>
      %sub3A_188 = arith.constant 1 : i32
      %sub3A_189 = vector.broadcast %sub3A_188 : i32 to vector<16xi32>
      %sub3A_190 = arith.subi %sub3A_189, %get3A_184 : vector<16xi32>
      %shift_right_arithmetic3A_191 = arith.constant 1 : i32
      %shift_right_arithmetic3A_192 = vector.broadcast %shift_right_arithmetic3A_191 : i32 to vector<16xi32>
      %shift_right_arithmetic3A_193 = arith.shrsi %sub3A_190, %shift_right_arithmetic3A_192 : vector<16xi32>
      %add3A_194 = arith.addi %mul3A_187, %shift_right_arithmetic3A_193 : vector<16xi32>
      %get3A_195 = arith.constant 2 : i32
      %get3A_196 = arith.index_cast %get3A_195 : i32 to index
      %get3A_197 = arith.index_cast %multiple_of3A : i32 to index
      %get3A_198 = tpu.vector_load %arg7[%get3A_196, %get3A_197] {strides = array<i32>} : memref<20x512xi32, #tpu.memory_space<vmem>>, vector<16xi32>,
      %mul3A_199 = arith.constant 2 : i32
      %mul3A_200 = vector.broadcast %mul3A_199 : i32 to vector<16xi32>
      %mul3A_201 = arith.muli %add3A_194, %mul3A_200 : vector<16xi32>
      %sub3A_202 = arith.constant 1 : i32
      %sub3A_203 = vector.broadcast %sub3A_202 : i32 to vector<16xi32>
      %sub3A_204 = arith.subi %sub3A_203, %get3A_198 : vector<16xi32>
      %shift_right_arithmetic3A_205 = arith.constant 1 : i32
      %shift_right_arithmetic3A_206 = vector.broadcast %shift_right_arithmetic3A_205 : i32 to vector<16xi32>
      %shift_right_arithmetic3A_207 = arith.shrsi %sub3A_204, %shift_right_arithmetic3A_206 : vector<16xi32>
      %add3A_208 = arith.addi %mul3A_201, %shift_right_arithmetic3A_207 : vector<16xi32>
      %get3A_209 = arith.constant 3 : i32
      %get3A_210 = arith.index_cast %get3A_209 : i32 to index
      %get3A_211 = arith.index_cast %multiple_of3A : i32 to index
      %get3A_212 = tpu.vector_load %arg7[%get3A_210, %get3A_211] {strides = array<i32>} : memref<20x512xi32, #tpu.memory_space<vmem>>, vector<16xi32>,
      %mul3A_213 = arith.constant 2 : i32
      %mul3A_214 = vector.broadcast %mul3A_213 : i32 to vector<16xi32>
      %mul3A_215 = arith.muli %add3A_208, %mul3A_214 : vector<16xi32>
      %sub3A_216 = arith.constant 1 : i32
      %sub3A_217 = vector.broadcast %sub3A_216 : i32 to vector<16xi32>
      %sub3A_218 = arith.subi %sub3A_217, %get3A_212 : vector<16xi32>
      %shift_right_arithmetic3A_219 = arith.constant 1 : i32
      %shift_right_arithmetic3A_220 = vector.broadcast %shift_right_arithmetic3A_219 : i32 to vector<16xi32>
      %shift_right_arithmetic3A_221 = arith.shrsi %sub3A_218, %shift_right_arithmetic3A_220 : vector<16xi32>
      %add3A_222 = arith.addi %mul3A_215, %shift_right_arithmetic3A_221 : vector<16xi32>
      %get3A_223 = arith.constant 4 : i32
      %get3A_224 = arith.index_cast %get3A_223 : i32 to index
      %get3A_225 = arith.index_cast %multiple_of3A : i32 to index
      %get3A_226 = tpu.vector_load %arg7[%get3A_224, %get3A_225] {strides = array<i32>} : memref<20x512xi32, #tpu.memory_space<vmem>>, vector<16xi32>,
      %mul3A_227 = arith.constant 2 : i32
      %mul3A_228 = vector.broadcast %mul3A_227 : i32 to vector<16xi32>
      %mul3A_229 = arith.muli %add3A_222, %mul3A_228 : vector<16xi32>
      %sub3A_230 = arith.constant 1 : i32
      %sub3A_231 = vector.broadcast %sub3A_230 : i32 to vector<16xi32>
      %sub3A_232 = arith.subi %sub3A_231, %get3A_226 : vector<16xi32>
      %shift_right_arithmetic3A_233 = arith.constant 1 : i32
      %shift_right_arithmetic3A_234 = vector.broadcast %shift_right_arithmetic3A_233 : i32 to vector<16xi32>
      %shift_right_arithmetic3A_235 = arith.shrsi %sub3A_232, %shift_right_arithmetic3A_234 : vector<16xi32>
      %add3A_236 = arith.addi %mul3A_229, %shift_right_arithmetic3A_235 : vector<16xi32>
      %get3A_237 = arith.constant 5 : i32
      %get3A_238 = arith.index_cast %get3A_237 : i32 to index
      %get3A_239 = arith.index_cast %multiple_of3A : i32 to index
      %get3A_240 = tpu.vector_load %arg7[%get3A_238, %get3A_239] {strides = array<i32>} : memref<20x512xi32, #tpu.memory_space<vmem>>, vector<16xi32>,
      %mul3A_241 = arith.constant 2 : i32
      %mul3A_242 = vector.broadcast %mul3A_241 : i32 to vector<16xi32>
      %mul3A_243 = arith.muli %add3A_236, %mul3A_242 : vector<16xi32>
      %sub3A_244 = arith.constant 1 : i32
      %sub3A_245 = vector.broadcast %sub3A_244 : i32 to vector<16xi32>
      %sub3A_246 = arith.subi %sub3A_245, %get3A_240 : vector<16xi32>
      %shift_right_arithmetic3A_247 = arith.constant 1 : i32
      %shift_right_arithmetic3A_248 = vector.broadcast %shift_right_arithmetic3A_247 : i32 to vector<16xi32>
      %shift_right_arithmetic3A_249 = arith.shrsi %sub3A_246, %shift_right_arithmetic3A_248 : vector<16xi32>
      %add3A_250 = arith.addi %mul3A_243, %shift_right_arithmetic3A_249 : vector<16xi32>
      %get3A_251 = arith.constant 6 : i32
      %get3A_252 = arith.index_cast %get3A_251 : i32 to index
      %get3A_253 = arith.index_cast %multiple_of3A : i32 to index
      %get3A_254 = tpu.vector_load %arg7[%get3A_252, %get3A_253] {strides = array<i32>} : memref<20x512xi32, #tpu.memory_space<vmem>>, vector<16xi32>,
      %mul3A_255 = arith.constant 2 : i32
      %mul3A_256 = vector.broadcast %mul3A_255 : i32 to vector<16xi32>
      %mul3A_257 = arith.muli %add3A_250, %mul3A_256 : vector<16xi32>
      %sub3A_258 = arith.constant 1 : i32
      %sub3A_259 = vector.broadcast %sub3A_258 : i32 to vector<16xi32>
      %sub3A_260 = arith.subi %sub3A_259, %get3A_254 : vector<16xi32>
      %shift_right_arithmetic3A_261 = arith.constant 1 : i32
      %shift_right_arithmetic3A_262 = vector.broadcast %shift_right_arithmetic3A_261 : i32 to vector<16xi32>
      %shift_right_arithmetic3A_263 = arith.shrsi %sub3A_260, %shift_right_arithmetic3A_262 : vector<16xi32>
      %add3A_264 = arith.addi %mul3A_257, %shift_right_arithmetic3A_263 : vector<16xi32>
      %get3A_265 = arith.constant 7 : i32
      %get3A_266 = arith.index_cast %get3A_265 : i32 to index
      %get3A_267 = arith.index_cast %multiple_of3A : i32 to index
      %get3A_268 = tpu.vector_load %arg7[%get3A_266, %get3A_267] {strides = array<i32>} : memref<20x512xi32, #tpu.memory_space<vmem>>, vector<16xi32>,
      %mul3A_269 = arith.constant 2 : i32
      %mul3A_270 = vector.broadcast %mul3A_269 : i32 to vector<16xi32>
      %mul3A_271 = arith.muli %add3A_264, %mul3A_270 : vector<16xi32>
      %sub3A_272 = arith.constant 1 : i32
      %sub3A_273 = vector.broadcast %sub3A_272 : i32 to vector<16xi32>
      %sub3A_274 = arith.subi %sub3A_273, %get3A_268 : vector<16xi32>
      %shift_right_arithmetic3A_275 = arith.constant 1 : i32
      %shift_right_arithmetic3A_276 = vector.broadcast %shift_right_arithmetic3A_275 : i32 to vector<16xi32>
      %shift_right_arithmetic3A_277 = arith.shrsi %sub3A_274, %shift_right_arithmetic3A_276 : vector<16xi32>
      %add3A_278 = arith.addi %mul3A_271, %shift_right_arithmetic3A_277 : vector<16xi32>
      %get3A_279 = arith.constant 8 : i32
      %get3A_280 = arith.index_cast %get3A_279 : i32 to index
      %get3A_281 = arith.index_cast %multiple_of3A : i32 to index
      %get3A_282 = tpu.vector_load %arg7[%get3A_280, %get3A_281] {strides = array<i32>} : memref<20x512xi32, #tpu.memory_space<vmem>>, vector<16xi32>,
      %mul3A_283 = arith.constant 2 : i32
      %mul3A_284 = vector.broadcast %mul3A_283 : i32 to vector<16xi32>
      %mul3A_285 = arith.muli %add3A_278, %mul3A_284 : vector<16xi32>
      %sub3A_286 = arith.constant 1 : i32
      %sub3A_287 = vector.broadcast %sub3A_286 : i32 to vector<16xi32>
      %sub3A_288 = arith.subi %sub3A_287, %get3A_282 : vector<16xi32>
      %shift_right_arithmetic3A_289 = arith.constant 1 : i32
      %shift_right_arithmetic3A_290 = vector.broadcast %shift_right_arithmetic3A_289 : i32 to vector<16xi32>
      %shift_right_arithmetic3A_291 = arith.shrsi %sub3A_288, %shift_right_arithmetic3A_290 : vector<16xi32>
      %add3A_292 = arith.addi %mul3A_285, %shift_right_arithmetic3A_291 : vector<16xi32>
      %get3A_293 = arith.constant 9 : i32
      %get3A_294 = arith.index_cast %get3A_293 : i32 to index
      %get3A_295 = arith.index_cast %multiple_of3A : i32 to index
      %get3A_296 = tpu.vector_load %arg7[%get3A_294, %get3A_295] {strides = array<i32>} : memref<20x512xi32, #tpu.memory_space<vmem>>, vector<16xi32>,
      %mul3A_297 = arith.constant 2 : i32
      %mul3A_298 = vector.broadcast %mul3A_297 : i32 to vector<16xi32>
      %mul3A_299 = arith.muli %add3A_292, %mul3A_298 : vector<16xi32>
      %sub3A_300 = arith.constant 1 : i32
      %sub3A_301 = vector.broadcast %sub3A_300 : i32 to vector<16xi32>
      %sub3A_302 = arith.subi %sub3A_301, %get3A_296 : vector<16xi32>
      %shift_right_arithmetic3A_303 = arith.constant 1 : i32
      %shift_right_arithmetic3A_304 = vector.broadcast %shift_right_arithmetic3A_303 : i32 to vector<16xi32>
      %shift_right_arithmetic3A_305 = arith.shrsi %sub3A_302, %shift_right_arithmetic3A_304 : vector<16xi32>
      %add3A_306 = arith.addi %mul3A_299, %shift_right_arithmetic3A_305 : vector<16xi32>
      %get3A_307 = arith.constant 10 : i32
      %get3A_308 = arith.index_cast %get3A_307 : i32 to index
      %get3A_309 = arith.index_cast %multiple_of3A : i32 to index
      %get3A_310 = tpu.vector_load %arg7[%get3A_308, %get3A_309] {strides = array<i32>} : memref<20x512xi32, #tpu.memory_space<vmem>>, vector<16xi32>,
      %mul3A_311 = arith.constant 2 : i32
      %mul3A_312 = vector.broadcast %mul3A_311 : i32 to vector<16xi32>
      %mul3A_313 = arith.muli %add3A_306, %mul3A_312 : vector<16xi32>
      %sub3A_314 = arith.constant 1 : i32
      %sub3A_315 = vector.broadcast %sub3A_314 : i32 to vector<16xi32>
      %sub3A_316 = arith.subi %sub3A_315, %get3A_310 : vector<16xi32>
      %shift_right_arithmetic3A_317 = arith.constant 1 : i32
      %shift_right_arithmetic3A_318 = vector.broadcast %shift_right_arithmetic3A_317 : i32 to vector<16xi32>
      %shift_right_arithmetic3A_319 = arith.shrsi %sub3A_316, %shift_right_arithmetic3A_318 : vector<16xi32>
      %add3A_320 = arith.addi %mul3A_313, %shift_right_arithmetic3A_319 : vector<16xi32>
      %get3A_321 = arith.constant 11 : i32
      %get3A_322 = arith.index_cast %get3A_321 : i32 to index
      %get3A_323 = arith.index_cast %multiple_of3A : i32 to index
      %get3A_324 = tpu.vector_load %arg7[%get3A_322, %get3A_323] {strides = array<i32>} : memref<20x512xi32, #tpu.memory_space<vmem>>, vector<16xi32>,
      %mul3A_325 = arith.constant 2 : i32
      %mul3A_326 = vector.broadcast %mul3A_325 : i32 to vector<16xi32>
      %mul3A_327 = arith.muli %add3A_320, %mul3A_326 : vector<16xi32>
      %sub3A_328 = arith.constant 1 : i32
      %sub3A_329 = vector.broadcast %sub3A_328 : i32 to vector<16xi32>
      %sub3A_330 = arith.subi %sub3A_329, %get3A_324 : vector<16xi32>
      %shift_right_arithmetic3A_331 = arith.constant 1 : i32
      %shift_right_arithmetic3A_332 = vector.broadcast %shift_right_arithmetic3A_331 : i32 to vector<16xi32>
      %shift_right_arithmetic3A_333 = arith.shrsi %sub3A_330, %shift_right_arithmetic3A_332 : vector<16xi32>
      %add3A_334 = arith.addi %mul3A_327, %shift_right_arithmetic3A_333 : vector<16xi32>
      %get3A_335 = arith.constant 12 : i32
      %get3A_336 = arith.index_cast %get3A_335 : i32 to index
      %get3A_337 = arith.index_cast %multiple_of3A : i32 to index
      %get3A_338 = tpu.vector_load %arg7[%get3A_336, %get3A_337] {strides = array<i32>} : memref<20x512xi32, #tpu.memory_space<vmem>>, vector<16xi32>,
      %mul3A_339 = arith.constant 2 : i32
      %mul3A_340 = vector.broadcast %mul3A_339 : i32 to vector<16xi32>
      %mul3A_341 = arith.muli %add3A_334, %mul3A_340 : vector<16xi32>
      %sub3A_342 = arith.constant 1 : i32
      %sub3A_343 = vector.broadcast %sub3A_342 : i32 to vector<16xi32>
      %sub3A_344 = arith.subi %sub3A_343, %get3A_338 : vector<16xi32>
      %shift_right_arithmetic3A_345 = arith.constant 1 : i32
      %shift_right_arithmetic3A_346 = vector.broadcast %shift_right_arithmetic3A_345 : i32 to vector<16xi32>
      %shift_right_arithmetic3A_347 = arith.shrsi %sub3A_344, %shift_right_arithmetic3A_346 : vector<16xi32>
      %add3A_348 = arith.addi %mul3A_341, %shift_right_arithmetic3A_347 : vector<16xi32>
      %get3A_349 = arith.constant 13 : i32
      %get3A_350 = arith.index_cast %get3A_349 : i32 to index
      %get3A_351 = arith.index_cast %multiple_of3A : i32 to index
      %get3A_352 = tpu.vector_load %arg7[%get3A_350, %get3A_351] {strides = array<i32>} : memref<20x512xi32, #tpu.memory_space<vmem>>, vector<16xi32>,
      %mul3A_353 = arith.constant 2 : i32
      %mul3A_354 = vector.broadcast %mul3A_353 : i32 to vector<16xi32>
      %mul3A_355 = arith.muli %add3A_348, %mul3A_354 : vector<16xi32>
      %sub3A_356 = arith.constant 1 : i32
      %sub3A_357 = vector.broadcast %sub3A_356 : i32 to vector<16xi32>
      %sub3A_358 = arith.subi %sub3A_357, %get3A_352 : vector<16xi32>
      %shift_right_arithmetic3A_359 = arith.constant 1 : i32
      %shift_right_arithmetic3A_360 = vector.broadcast %shift_right_arithmetic3A_359 : i32 to vector<16xi32>
      %shift_right_arithmetic3A_361 = arith.shrsi %sub3A_358, %shift_right_arithmetic3A_360 : vector<16xi32>
      %add3A_362 = arith.addi %mul3A_355, %shift_right_arithmetic3A_361 : vector<16xi32>
      %get3A_363 = arith.constant 14 : i32
      %get3A_364 = arith.index_cast %get3A_363 : i32 to index
      %get3A_365 = arith.index_cast %multiple_of3A : i32 to index
      %get3A_366 = tpu.vector_load %arg7[%get3A_364, %get3A_365] {strides = array<i32>} : memref<20x512xi32, #tpu.memory_space<vmem>>, vector<16xi32>,
      %mul3A_367 = arith.constant 2 : i32
      %mul3A_368 = vector.broadcast %mul3A_367 : i32 to vector<16xi32>
      %mul3A_369 = arith.muli %add3A_362, %mul3A_368 : vector<16xi32>
      %sub3A_370 = arith.constant 1 : i32
      %sub3A_371 = vector.broadcast %sub3A_370 : i32 to vector<16xi32>
      %sub3A_372 = arith.subi %sub3A_371, %get3A_366 : vector<16xi32>
      %shift_right_arithmetic3A_373 = arith.constant 1 : i32
      %shift_right_arithmetic3A_374 = vector.broadcast %shift_right_arithmetic3A_373 : i32 to vector<16xi32>
      %shift_right_arithmetic3A_375 = arith.shrsi %sub3A_372, %shift_right_arithmetic3A_374 : vector<16xi32>
      %add3A_376 = arith.addi %mul3A_369, %shift_right_arithmetic3A_375 : vector<16xi32>
      %get3A_377 = arith.constant 15 : i32
      %get3A_378 = arith.index_cast %get3A_377 : i32 to index
      %get3A_379 = arith.index_cast %multiple_of3A : i32 to index
      %get3A_380 = tpu.vector_load %arg7[%get3A_378, %get3A_379] {strides = array<i32>} : memref<20x512xi32, #tpu.memory_space<vmem>>, vector<16xi32>,
      %mul3A_381 = arith.constant 2 : i32
      %mul3A_382 = vector.broadcast %mul3A_381 : i32 to vector<16xi32>
      %mul3A_383 = arith.muli %add3A_376, %mul3A_382 : vector<16xi32>
      %sub3A_384 = arith.constant 1 : i32
      %sub3A_385 = vector.broadcast %sub3A_384 : i32 to vector<16xi32>
      %sub3A_386 = arith.subi %sub3A_385, %get3A_380 : vector<16xi32>
      %shift_right_arithmetic3A_387 = arith.constant 1 : i32
      %shift_right_arithmetic3A_388 = vector.broadcast %shift_right_arithmetic3A_387 : i32 to vector<16xi32>
      %shift_right_arithmetic3A_389 = arith.shrsi %sub3A_386, %shift_right_arithmetic3A_388 : vector<16xi32>
      %add3A_390 = arith.addi %mul3A_383, %shift_right_arithmetic3A_389 : vector<16xi32>
      %get3A_391 = arith.constant 16 : i32
      %get3A_392 = arith.index_cast %get3A_391 : i32 to index
      %get3A_393 = arith.index_cast %multiple_of3A : i32 to index
      %get3A_394 = tpu.vector_load %arg7[%get3A_392, %get3A_393] {strides = array<i32>} : memref<20x512xi32, #tpu.memory_space<vmem>>, vector<16xi32>,
      %mul3A_395 = arith.constant 2 : i32
      %mul3A_396 = vector.broadcast %mul3A_395 : i32 to vector<16xi32>
      %mul3A_397 = arith.muli %add3A_390, %mul3A_396 : vector<16xi32>
      %sub3A_398 = arith.constant 1 : i32
      %sub3A_399 = vector.broadcast %sub3A_398 : i32 to vector<16xi32>
      %sub3A_400 = arith.subi %sub3A_399, %get3A_394 : vector<16xi32>
      %shift_right_arithmetic3A_401 = arith.constant 1 : i32
      %shift_right_arithmetic3A_402 = vector.broadcast %shift_right_arithmetic3A_401 : i32 to vector<16xi32>
      %shift_right_arithmetic3A_403 = arith.shrsi %sub3A_400, %shift_right_arithmetic3A_402 : vector<16xi32>
      %add3A_404 = arith.addi %mul3A_397, %shift_right_arithmetic3A_403 : vector<16xi32>
      %get3A_405 = arith.constant 17 : i32
      %get3A_406 = arith.index_cast %get3A_405 : i32 to index
      %get3A_407 = arith.index_cast %multiple_of3A : i32 to index
      %get3A_408 = tpu.vector_load %arg7[%get3A_406, %get3A_407] {strides = array<i32>} : memref<20x512xi32, #tpu.memory_space<vmem>>, vector<16xi32>,
      %mul3A_409 = arith.constant 2 : i32
      %mul3A_410 = vector.broadcast %mul3A_409 : i32 to vector<16xi32>
      %mul3A_411 = arith.muli %add3A_404, %mul3A_410 : vector<16xi32>
      %sub3A_412 = arith.constant 1 : i32
      %sub3A_413 = vector.broadcast %sub3A_412 : i32 to vector<16xi32>
      %sub3A_414 = arith.subi %sub3A_413, %get3A_408 : vector<16xi32>
      %shift_right_arithmetic3A_415 = arith.constant 1 : i32
      %shift_right_arithmetic3A_416 = vector.broadcast %shift_right_arithmetic3A_415 : i32 to vector<16xi32>
      %shift_right_arithmetic3A_417 = arith.shrsi %sub3A_414, %shift_right_arithmetic3A_416 : vector<16xi32>
      %add3A_418 = arith.addi %mul3A_411, %shift_right_arithmetic3A_417 : vector<16xi32>
      %get3A_419 = arith.constant 18 : i32
      %get3A_420 = arith.index_cast %get3A_419 : i32 to index
      %get3A_421 = arith.index_cast %multiple_of3A : i32 to index
      %get3A_422 = tpu.vector_load %arg7[%get3A_420, %get3A_421] {strides = array<i32>} : memref<20x512xi32, #tpu.memory_space<vmem>>, vector<16xi32>,
      %mul3A_423 = arith.constant 2 : i32
      %mul3A_424 = vector.broadcast %mul3A_423 : i32 to vector<16xi32>
      %mul3A_425 = arith.muli %add3A_418, %mul3A_424 : vector<16xi32>
      %sub3A_426 = arith.constant 1 : i32
      %sub3A_427 = vector.broadcast %sub3A_426 : i32 to vector<16xi32>
      %sub3A_428 = arith.subi %sub3A_427, %get3A_422 : vector<16xi32>
      %shift_right_arithmetic3A_429 = arith.constant 1 : i32
      %shift_right_arithmetic3A_430 = vector.broadcast %shift_right_arithmetic3A_429 : i32 to vector<16xi32>
      %shift_right_arithmetic3A_431 = arith.shrsi %sub3A_428, %shift_right_arithmetic3A_430 : vector<16xi32>
      %add3A_432 = arith.addi %mul3A_425, %shift_right_arithmetic3A_431 : vector<16xi32>
      %get3A_433 = arith.constant 19 : i32
      %get3A_434 = arith.index_cast %get3A_433 : i32 to index
      %get3A_435 = arith.index_cast %multiple_of3A : i32 to index
      %get3A_436 = tpu.vector_load %arg7[%get3A_434, %get3A_435] {strides = array<i32>} : memref<20x512xi32, #tpu.memory_space<vmem>>, vector<16xi32>,
      %mul3A_437 = arith.constant 2 : i32
      %mul3A_438 = vector.broadcast %mul3A_437 : i32 to vector<16xi32>
      %mul3A_439 = arith.muli %add3A_432, %mul3A_438 : vector<16xi32>
      %sub3A_440 = arith.constant 1 : i32
      %sub3A_441 = vector.broadcast %sub3A_440 : i32 to vector<16xi32>
      %sub3A_442 = arith.subi %sub3A_441, %get3A_436 : vector<16xi32>
      %shift_right_arithmetic3A_443 = arith.constant 1 : i32
      %shift_right_arithmetic3A_444 = vector.broadcast %shift_right_arithmetic3A_443 : i32 to vector<16xi32>
      %shift_right_arithmetic3A_445 = arith.shrsi %sub3A_442, %shift_right_arithmetic3A_444 : vector<16xi32>
      %add3A_446 = arith.addi %mul3A_439, %shift_right_arithmetic3A_445 : vector<16xi32>
      %swap3A = arith.index_cast %multiple_of3A : i32 to index
      %swap3A_447 = tpu.vector_load %arg8[%swap3A] {strides = array<i32>} : memref<512xi32, #tpu.memory_space<vmem>>, vector<16xi32>,
      tpu.vector_store %arg8[%swap3A], %add3A_446 {strides = array<i32>} : memref<512xi32, #tpu.memory_space<vmem>>, vector<16xi32>,
    }
    %scan3A_83 = arith.constant 8 : i32
    %dma_start3A_84 = arith.constant 256 : i32
    %dma_start3A_85 = tpu.memref_slice %arg9[%dma_start3A_84] : memref<512xf32, #tpu.memory_space<vmem>> -> memref<128xf32, #tpu.memory_space<vmem>>
    %dma_start3A_86 = arith.constant 256 : i32
    %dma_start3A_87 = tpu.memref_slice %arg8[%dma_start3A_86] : memref<512xi32, #tpu.memory_space<vmem>> -> memref<128xi32, #tpu.memory_space<vmem>>
    %dma_start3A_88 = arith.constant 0 : i32
    %dma_start3A_89 = tpu.memref_slice %arg3[%dma_start3A_88] : memref<1048576xf32, #tpu.memory_space<hbm>> -> memref<1048576xf32, #tpu.memory_space<hbm>>
    tpu.enqueue_indirect_dma source(%dma_start3A_89 : memref<1048576xf32, #tpu.memory_space<hbm>>) target(%dma_start3A_85 : memref<128xf32, #tpu.memory_space<vmem>>) offsets(%dma_start3A_87 : memref<128xi32, #tpu.memory_space<vmem>>) semaphore(%arg11 : memref<!tpu.dma_semaphore, #tpu.memory_space<semaphore_mem>>)
    %dma_start3A_90 = arith.constant 256 : i32
    %dma_start3A_91 = tpu.memref_slice %arg10[%dma_start3A_90] : memref<512xf32, #tpu.memory_space<vmem>> -> memref<128xf32, #tpu.memory_space<vmem>>
    %dma_start3A_92 = arith.constant 256 : i32
    %dma_start3A_93 = tpu.memref_slice %arg8[%dma_start3A_92] : memref<512xi32, #tpu.memory_space<vmem>> -> memref<128xi32, #tpu.memory_space<vmem>>
    %dma_start3A_94 = arith.constant 0 : i32
    %dma_start3A_95 = tpu.memref_slice %arg4[%dma_start3A_94] : memref<1048576xf32, #tpu.memory_space<hbm>> -> memref<1048576xf32, #tpu.memory_space<hbm>>
    tpu.enqueue_indirect_dma source(%dma_start3A_95 : memref<1048576xf32, #tpu.memory_space<hbm>>) target(%dma_start3A_91 : memref<128xf32, #tpu.memory_space<vmem>>) offsets(%dma_start3A_93 : memref<128xi32, #tpu.memory_space<vmem>>) semaphore(%arg12 : memref<!tpu.dma_semaphore, #tpu.memory_space<semaphore_mem>>)
    %scan3A_96 = arith.constant 0 : i32
    %scan3A_97 = arith.constant 24 : i32
    %scan3A_98 = arith.constant 8 : i32
    %scan3A_99 = arith.addi %scan3A_97, %scan3A_98 : i32
    %scan3A_100 = arith.constant 1 : i32
    scf.for %scan3A_166 = %scan3A_97 to %scan3A_99 step %scan3A_100  : i32 {
      %mul3A_167 = arith.constant 16 : i32
      %mul3A_168 = arith.muli %scan3A_166, %mul3A_167 : i32
      %multiple_of3A = tpu.assume_multiple %mul3A_168, 16 : i32
      %broadcast_in_dim3A = arith.constant 0 : i32
      %broadcast_in_dim3A_169 = vector.broadcast %broadcast_in_dim3A : i32 to vector<16xi32>
      %get3A = arith.constant 0 : i32
      %get3A_170 = arith.index_cast %get3A : i32 to index
      %get3A_171 = arith.index_cast %multiple_of3A : i32 to index
      %get3A_172 = tpu.vector_load %arg7[%get3A_170, %get3A_171] {strides = array<i32>} : memref<20x512xi32, #tpu.memory_space<vmem>>, vector<16xi32>,
      %mul3A_173 = arith.constant 2 : i32
      %mul3A_174 = vector.broadcast %mul3A_173 : i32 to vector<16xi32>
      %mul3A_175 = arith.muli %broadcast_in_dim3A_169, %mul3A_174 : vector<16xi32>
      %sub3A = arith.constant 1 : i32
      %sub3A_176 = vector.broadcast %sub3A : i32 to vector<16xi32>
      %sub3A_177 = arith.subi %sub3A_176, %get3A_172 : vector<16xi32>
      %shift_right_arithmetic3A = arith.constant 1 : i32
      %shift_right_arithmetic3A_178 = vector.broadcast %shift_right_arithmetic3A : i32 to vector<16xi32>
      %shift_right_arithmetic3A_179 = arith.shrsi %sub3A_177, %shift_right_arithmetic3A_178 : vector<16xi32>
      %add3A_180 = arith.addi %mul3A_175, %shift_right_arithmetic3A_179 : vector<16xi32>
      %get3A_181 = arith.constant 1 : i32
      %get3A_182 = arith.index_cast %get3A_181 : i32 to index
      %get3A_183 = arith.index_cast %multiple_of3A : i32 to index
      %get3A_184 = tpu.vector_load %arg7[%get3A_182, %get3A_183] {strides = array<i32>} : memref<20x512xi32, #tpu.memory_space<vmem>>, vector<16xi32>,
      %mul3A_185 = arith.constant 2 : i32
      %mul3A_186 = vector.broadcast %mul3A_185 : i32 to vector<16xi32>
      %mul3A_187 = arith.muli %add3A_180, %mul3A_186 : vector<16xi32>
      %sub3A_188 = arith.constant 1 : i32
      %sub3A_189 = vector.broadcast %sub3A_188 : i32 to vector<16xi32>
      %sub3A_190 = arith.subi %sub3A_189, %get3A_184 : vector<16xi32>
      %shift_right_arithmetic3A_191 = arith.constant 1 : i32
      %shift_right_arithmetic3A_192 = vector.broadcast %shift_right_arithmetic3A_191 : i32 to vector<16xi32>
      %shift_right_arithmetic3A_193 = arith.shrsi %sub3A_190, %shift_right_arithmetic3A_192 : vector<16xi32>
      %add3A_194 = arith.addi %mul3A_187, %shift_right_arithmetic3A_193 : vector<16xi32>
      %get3A_195 = arith.constant 2 : i32
      %get3A_196 = arith.index_cast %get3A_195 : i32 to index
      %get3A_197 = arith.index_cast %multiple_of3A : i32 to index
      %get3A_198 = tpu.vector_load %arg7[%get3A_196, %get3A_197] {strides = array<i32>} : memref<20x512xi32, #tpu.memory_space<vmem>>, vector<16xi32>,
      %mul3A_199 = arith.constant 2 : i32
      %mul3A_200 = vector.broadcast %mul3A_199 : i32 to vector<16xi32>
      %mul3A_201 = arith.muli %add3A_194, %mul3A_200 : vector<16xi32>
      %sub3A_202 = arith.constant 1 : i32
      %sub3A_203 = vector.broadcast %sub3A_202 : i32 to vector<16xi32>
      %sub3A_204 = arith.subi %sub3A_203, %get3A_198 : vector<16xi32>
      %shift_right_arithmetic3A_205 = arith.constant 1 : i32
      %shift_right_arithmetic3A_206 = vector.broadcast %shift_right_arithmetic3A_205 : i32 to vector<16xi32>
      %shift_right_arithmetic3A_207 = arith.shrsi %sub3A_204, %shift_right_arithmetic3A_206 : vector<16xi32>
      %add3A_208 = arith.addi %mul3A_201, %shift_right_arithmetic3A_207 : vector<16xi32>
      %get3A_209 = arith.constant 3 : i32
      %get3A_210 = arith.index_cast %get3A_209 : i32 to index
      %get3A_211 = arith.index_cast %multiple_of3A : i32 to index
      %get3A_212 = tpu.vector_load %arg7[%get3A_210, %get3A_211] {strides = array<i32>} : memref<20x512xi32, #tpu.memory_space<vmem>>, vector<16xi32>,
      %mul3A_213 = arith.constant 2 : i32
      %mul3A_214 = vector.broadcast %mul3A_213 : i32 to vector<16xi32>
      %mul3A_215 = arith.muli %add3A_208, %mul3A_214 : vector<16xi32>
      %sub3A_216 = arith.constant 1 : i32
      %sub3A_217 = vector.broadcast %sub3A_216 : i32 to vector<16xi32>
      %sub3A_218 = arith.subi %sub3A_217, %get3A_212 : vector<16xi32>
      %shift_right_arithmetic3A_219 = arith.constant 1 : i32
      %shift_right_arithmetic3A_220 = vector.broadcast %shift_right_arithmetic3A_219 : i32 to vector<16xi32>
      %shift_right_arithmetic3A_221 = arith.shrsi %sub3A_218, %shift_right_arithmetic3A_220 : vector<16xi32>
      %add3A_222 = arith.addi %mul3A_215, %shift_right_arithmetic3A_221 : vector<16xi32>
      %get3A_223 = arith.constant 4 : i32
      %get3A_224 = arith.index_cast %get3A_223 : i32 to index
      %get3A_225 = arith.index_cast %multiple_of3A : i32 to index
      %get3A_226 = tpu.vector_load %arg7[%get3A_224, %get3A_225] {strides = array<i32>} : memref<20x512xi32, #tpu.memory_space<vmem>>, vector<16xi32>,
      %mul3A_227 = arith.constant 2 : i32
      %mul3A_228 = vector.broadcast %mul3A_227 : i32 to vector<16xi32>
      %mul3A_229 = arith.muli %add3A_222, %mul3A_228 : vector<16xi32>
      %sub3A_230 = arith.constant 1 : i32
      %sub3A_231 = vector.broadcast %sub3A_230 : i32 to vector<16xi32>
      %sub3A_232 = arith.subi %sub3A_231, %get3A_226 : vector<16xi32>
      %shift_right_arithmetic3A_233 = arith.constant 1 : i32
      %shift_right_arithmetic3A_234 = vector.broadcast %shift_right_arithmetic3A_233 : i32 to vector<16xi32>
      %shift_right_arithmetic3A_235 = arith.shrsi %sub3A_232, %shift_right_arithmetic3A_234 : vector<16xi32>
      %add3A_236 = arith.addi %mul3A_229, %shift_right_arithmetic3A_235 : vector<16xi32>
      %get3A_237 = arith.constant 5 : i32
      %get3A_238 = arith.index_cast %get3A_237 : i32 to index
      %get3A_239 = arith.index_cast %multiple_of3A : i32 to index
      %get3A_240 = tpu.vector_load %arg7[%get3A_238, %get3A_239] {strides = array<i32>} : memref<20x512xi32, #tpu.memory_space<vmem>>, vector<16xi32>,
      %mul3A_241 = arith.constant 2 : i32
      %mul3A_242 = vector.broadcast %mul3A_241 : i32 to vector<16xi32>
      %mul3A_243 = arith.muli %add3A_236, %mul3A_242 : vector<16xi32>
      %sub3A_244 = arith.constant 1 : i32
      %sub3A_245 = vector.broadcast %sub3A_244 : i32 to vector<16xi32>
      %sub3A_246 = arith.subi %sub3A_245, %get3A_240 : vector<16xi32>
      %shift_right_arithmetic3A_247 = arith.constant 1 : i32
      %shift_right_arithmetic3A_248 = vector.broadcast %shift_right_arithmetic3A_247 : i32 to vector<16xi32>
      %shift_right_arithmetic3A_249 = arith.shrsi %sub3A_246, %shift_right_arithmetic3A_248 : vector<16xi32>
      %add3A_250 = arith.addi %mul3A_243, %shift_right_arithmetic3A_249 : vector<16xi32>
      %get3A_251 = arith.constant 6 : i32
      %get3A_252 = arith.index_cast %get3A_251 : i32 to index
      %get3A_253 = arith.index_cast %multiple_of3A : i32 to index
      %get3A_254 = tpu.vector_load %arg7[%get3A_252, %get3A_253] {strides = array<i32>} : memref<20x512xi32, #tpu.memory_space<vmem>>, vector<16xi32>,
      %mul3A_255 = arith.constant 2 : i32
      %mul3A_256 = vector.broadcast %mul3A_255 : i32 to vector<16xi32>
      %mul3A_257 = arith.muli %add3A_250, %mul3A_256 : vector<16xi32>
      %sub3A_258 = arith.constant 1 : i32
      %sub3A_259 = vector.broadcast %sub3A_258 : i32 to vector<16xi32>
      %sub3A_260 = arith.subi %sub3A_259, %get3A_254 : vector<16xi32>
      %shift_right_arithmetic3A_261 = arith.constant 1 : i32
      %shift_right_arithmetic3A_262 = vector.broadcast %shift_right_arithmetic3A_261 : i32 to vector<16xi32>
      %shift_right_arithmetic3A_263 = arith.shrsi %sub3A_260, %shift_right_arithmetic3A_262 : vector<16xi32>
      %add3A_264 = arith.addi %mul3A_257, %shift_right_arithmetic3A_263 : vector<16xi32>
      %get3A_265 = arith.constant 7 : i32
      %get3A_266 = arith.index_cast %get3A_265 : i32 to index
      %get3A_267 = arith.index_cast %multiple_of3A : i32 to index
      %get3A_268 = tpu.vector_load %arg7[%get3A_266, %get3A_267] {strides = array<i32>} : memref<20x512xi32, #tpu.memory_space<vmem>>, vector<16xi32>,
      %mul3A_269 = arith.constant 2 : i32
      %mul3A_270 = vector.broadcast %mul3A_269 : i32 to vector<16xi32>
      %mul3A_271 = arith.muli %add3A_264, %mul3A_270 : vector<16xi32>
      %sub3A_272 = arith.constant 1 : i32
      %sub3A_273 = vector.broadcast %sub3A_272 : i32 to vector<16xi32>
      %sub3A_274 = arith.subi %sub3A_273, %get3A_268 : vector<16xi32>
      %shift_right_arithmetic3A_275 = arith.constant 1 : i32
      %shift_right_arithmetic3A_276 = vector.broadcast %shift_right_arithmetic3A_275 : i32 to vector<16xi32>
      %shift_right_arithmetic3A_277 = arith.shrsi %sub3A_274, %shift_right_arithmetic3A_276 : vector<16xi32>
      %add3A_278 = arith.addi %mul3A_271, %shift_right_arithmetic3A_277 : vector<16xi32>
      %get3A_279 = arith.constant 8 : i32
      %get3A_280 = arith.index_cast %get3A_279 : i32 to index
      %get3A_281 = arith.index_cast %multiple_of3A : i32 to index
      %get3A_282 = tpu.vector_load %arg7[%get3A_280, %get3A_281] {strides = array<i32>} : memref<20x512xi32, #tpu.memory_space<vmem>>, vector<16xi32>,
      %mul3A_283 = arith.constant 2 : i32
      %mul3A_284 = vector.broadcast %mul3A_283 : i32 to vector<16xi32>
      %mul3A_285 = arith.muli %add3A_278, %mul3A_284 : vector<16xi32>
      %sub3A_286 = arith.constant 1 : i32
      %sub3A_287 = vector.broadcast %sub3A_286 : i32 to vector<16xi32>
      %sub3A_288 = arith.subi %sub3A_287, %get3A_282 : vector<16xi32>
      %shift_right_arithmetic3A_289 = arith.constant 1 : i32
      %shift_right_arithmetic3A_290 = vector.broadcast %shift_right_arithmetic3A_289 : i32 to vector<16xi32>
      %shift_right_arithmetic3A_291 = arith.shrsi %sub3A_288, %shift_right_arithmetic3A_290 : vector<16xi32>
      %add3A_292 = arith.addi %mul3A_285, %shift_right_arithmetic3A_291 : vector<16xi32>
      %get3A_293 = arith.constant 9 : i32
      %get3A_294 = arith.index_cast %get3A_293 : i32 to index
      %get3A_295 = arith.index_cast %multiple_of3A : i32 to index
      %get3A_296 = tpu.vector_load %arg7[%get3A_294, %get3A_295] {strides = array<i32>} : memref<20x512xi32, #tpu.memory_space<vmem>>, vector<16xi32>,
      %mul3A_297 = arith.constant 2 : i32
      %mul3A_298 = vector.broadcast %mul3A_297 : i32 to vector<16xi32>
      %mul3A_299 = arith.muli %add3A_292, %mul3A_298 : vector<16xi32>
      %sub3A_300 = arith.constant 1 : i32
      %sub3A_301 = vector.broadcast %sub3A_300 : i32 to vector<16xi32>
      %sub3A_302 = arith.subi %sub3A_301, %get3A_296 : vector<16xi32>
      %shift_right_arithmetic3A_303 = arith.constant 1 : i32
      %shift_right_arithmetic3A_304 = vector.broadcast %shift_right_arithmetic3A_303 : i32 to vector<16xi32>
      %shift_right_arithmetic3A_305 = arith.shrsi %sub3A_302, %shift_right_arithmetic3A_304 : vector<16xi32>
      %add3A_306 = arith.addi %mul3A_299, %shift_right_arithmetic3A_305 : vector<16xi32>
      %get3A_307 = arith.constant 10 : i32
      %get3A_308 = arith.index_cast %get3A_307 : i32 to index
      %get3A_309 = arith.index_cast %multiple_of3A : i32 to index
      %get3A_310 = tpu.vector_load %arg7[%get3A_308, %get3A_309] {strides = array<i32>} : memref<20x512xi32, #tpu.memory_space<vmem>>, vector<16xi32>,
      %mul3A_311 = arith.constant 2 : i32
      %mul3A_312 = vector.broadcast %mul3A_311 : i32 to vector<16xi32>
      %mul3A_313 = arith.muli %add3A_306, %mul3A_312 : vector<16xi32>
      %sub3A_314 = arith.constant 1 : i32
      %sub3A_315 = vector.broadcast %sub3A_314 : i32 to vector<16xi32>
      %sub3A_316 = arith.subi %sub3A_315, %get3A_310 : vector<16xi32>
      %shift_right_arithmetic3A_317 = arith.constant 1 : i32
      %shift_right_arithmetic3A_318 = vector.broadcast %shift_right_arithmetic3A_317 : i32 to vector<16xi32>
      %shift_right_arithmetic3A_319 = arith.shrsi %sub3A_316, %shift_right_arithmetic3A_318 : vector<16xi32>
      %add3A_320 = arith.addi %mul3A_313, %shift_right_arithmetic3A_319 : vector<16xi32>
      %get3A_321 = arith.constant 11 : i32
      %get3A_322 = arith.index_cast %get3A_321 : i32 to index
      %get3A_323 = arith.index_cast %multiple_of3A : i32 to index
      %get3A_324 = tpu.vector_load %arg7[%get3A_322, %get3A_323] {strides = array<i32>} : memref<20x512xi32, #tpu.memory_space<vmem>>, vector<16xi32>,
      %mul3A_325 = arith.constant 2 : i32
      %mul3A_326 = vector.broadcast %mul3A_325 : i32 to vector<16xi32>
      %mul3A_327 = arith.muli %add3A_320, %mul3A_326 : vector<16xi32>
      %sub3A_328 = arith.constant 1 : i32
      %sub3A_329 = vector.broadcast %sub3A_328 : i32 to vector<16xi32>
      %sub3A_330 = arith.subi %sub3A_329, %get3A_324 : vector<16xi32>
      %shift_right_arithmetic3A_331 = arith.constant 1 : i32
      %shift_right_arithmetic3A_332 = vector.broadcast %shift_right_arithmetic3A_331 : i32 to vector<16xi32>
      %shift_right_arithmetic3A_333 = arith.shrsi %sub3A_330, %shift_right_arithmetic3A_332 : vector<16xi32>
      %add3A_334 = arith.addi %mul3A_327, %shift_right_arithmetic3A_333 : vector<16xi32>
      %get3A_335 = arith.constant 12 : i32
      %get3A_336 = arith.index_cast %get3A_335 : i32 to index
      %get3A_337 = arith.index_cast %multiple_of3A : i32 to index
      %get3A_338 = tpu.vector_load %arg7[%get3A_336, %get3A_337] {strides = array<i32>} : memref<20x512xi32, #tpu.memory_space<vmem>>, vector<16xi32>,
      %mul3A_339 = arith.constant 2 : i32
      %mul3A_340 = vector.broadcast %mul3A_339 : i32 to vector<16xi32>
      %mul3A_341 = arith.muli %add3A_334, %mul3A_340 : vector<16xi32>
      %sub3A_342 = arith.constant 1 : i32
      %sub3A_343 = vector.broadcast %sub3A_342 : i32 to vector<16xi32>
      %sub3A_344 = arith.subi %sub3A_343, %get3A_338 : vector<16xi32>
      %shift_right_arithmetic3A_345 = arith.constant 1 : i32
      %shift_right_arithmetic3A_346 = vector.broadcast %shift_right_arithmetic3A_345 : i32 to vector<16xi32>
      %shift_right_arithmetic3A_347 = arith.shrsi %sub3A_344, %shift_right_arithmetic3A_346 : vector<16xi32>
      %add3A_348 = arith.addi %mul3A_341, %shift_right_arithmetic3A_347 : vector<16xi32>
      %get3A_349 = arith.constant 13 : i32
      %get3A_350 = arith.index_cast %get3A_349 : i32 to index
      %get3A_351 = arith.index_cast %multiple_of3A : i32 to index
      %get3A_352 = tpu.vector_load %arg7[%get3A_350, %get3A_351] {strides = array<i32>} : memref<20x512xi32, #tpu.memory_space<vmem>>, vector<16xi32>,
      %mul3A_353 = arith.constant 2 : i32
      %mul3A_354 = vector.broadcast %mul3A_353 : i32 to vector<16xi32>
      %mul3A_355 = arith.muli %add3A_348, %mul3A_354 : vector<16xi32>
      %sub3A_356 = arith.constant 1 : i32
      %sub3A_357 = vector.broadcast %sub3A_356 : i32 to vector<16xi32>
      %sub3A_358 = arith.subi %sub3A_357, %get3A_352 : vector<16xi32>
      %shift_right_arithmetic3A_359 = arith.constant 1 : i32
      %shift_right_arithmetic3A_360 = vector.broadcast %shift_right_arithmetic3A_359 : i32 to vector<16xi32>
      %shift_right_arithmetic3A_361 = arith.shrsi %sub3A_358, %shift_right_arithmetic3A_360 : vector<16xi32>
      %add3A_362 = arith.addi %mul3A_355, %shift_right_arithmetic3A_361 : vector<16xi32>
      %get3A_363 = arith.constant 14 : i32
      %get3A_364 = arith.index_cast %get3A_363 : i32 to index
      %get3A_365 = arith.index_cast %multiple_of3A : i32 to index
      %get3A_366 = tpu.vector_load %arg7[%get3A_364, %get3A_365] {strides = array<i32>} : memref<20x512xi32, #tpu.memory_space<vmem>>, vector<16xi32>,
      %mul3A_367 = arith.constant 2 : i32
      %mul3A_368 = vector.broadcast %mul3A_367 : i32 to vector<16xi32>
      %mul3A_369 = arith.muli %add3A_362, %mul3A_368 : vector<16xi32>
      %sub3A_370 = arith.constant 1 : i32
      %sub3A_371 = vector.broadcast %sub3A_370 : i32 to vector<16xi32>
      %sub3A_372 = arith.subi %sub3A_371, %get3A_366 : vector<16xi32>
      %shift_right_arithmetic3A_373 = arith.constant 1 : i32
      %shift_right_arithmetic3A_374 = vector.broadcast %shift_right_arithmetic3A_373 : i32 to vector<16xi32>
      %shift_right_arithmetic3A_375 = arith.shrsi %sub3A_372, %shift_right_arithmetic3A_374 : vector<16xi32>
      %add3A_376 = arith.addi %mul3A_369, %shift_right_arithmetic3A_375 : vector<16xi32>
      %get3A_377 = arith.constant 15 : i32
      %get3A_378 = arith.index_cast %get3A_377 : i32 to index
      %get3A_379 = arith.index_cast %multiple_of3A : i32 to index
      %get3A_380 = tpu.vector_load %arg7[%get3A_378, %get3A_379] {strides = array<i32>} : memref<20x512xi32, #tpu.memory_space<vmem>>, vector<16xi32>,
      %mul3A_381 = arith.constant 2 : i32
      %mul3A_382 = vector.broadcast %mul3A_381 : i32 to vector<16xi32>
      %mul3A_383 = arith.muli %add3A_376, %mul3A_382 : vector<16xi32>
      %sub3A_384 = arith.constant 1 : i32
      %sub3A_385 = vector.broadcast %sub3A_384 : i32 to vector<16xi32>
      %sub3A_386 = arith.subi %sub3A_385, %get3A_380 : vector<16xi32>
      %shift_right_arithmetic3A_387 = arith.constant 1 : i32
      %shift_right_arithmetic3A_388 = vector.broadcast %shift_right_arithmetic3A_387 : i32 to vector<16xi32>
      %shift_right_arithmetic3A_389 = arith.shrsi %sub3A_386, %shift_right_arithmetic3A_388 : vector<16xi32>
      %add3A_390 = arith.addi %mul3A_383, %shift_right_arithmetic3A_389 : vector<16xi32>
      %get3A_391 = arith.constant 16 : i32
      %get3A_392 = arith.index_cast %get3A_391 : i32 to index
      %get3A_393 = arith.index_cast %multiple_of3A : i32 to index
      %get3A_394 = tpu.vector_load %arg7[%get3A_392, %get3A_393] {strides = array<i32>} : memref<20x512xi32, #tpu.memory_space<vmem>>, vector<16xi32>,
      %mul3A_395 = arith.constant 2 : i32
      %mul3A_396 = vector.broadcast %mul3A_395 : i32 to vector<16xi32>
      %mul3A_397 = arith.muli %add3A_390, %mul3A_396 : vector<16xi32>
      %sub3A_398 = arith.constant 1 : i32
      %sub3A_399 = vector.broadcast %sub3A_398 : i32 to vector<16xi32>
      %sub3A_400 = arith.subi %sub3A_399, %get3A_394 : vector<16xi32>
      %shift_right_arithmetic3A_401 = arith.constant 1 : i32
      %shift_right_arithmetic3A_402 = vector.broadcast %shift_right_arithmetic3A_401 : i32 to vector<16xi32>
      %shift_right_arithmetic3A_403 = arith.shrsi %sub3A_400, %shift_right_arithmetic3A_402 : vector<16xi32>
      %add3A_404 = arith.addi %mul3A_397, %shift_right_arithmetic3A_403 : vector<16xi32>
      %get3A_405 = arith.constant 17 : i32
      %get3A_406 = arith.index_cast %get3A_405 : i32 to index
      %get3A_407 = arith.index_cast %multiple_of3A : i32 to index
      %get3A_408 = tpu.vector_load %arg7[%get3A_406, %get3A_407] {strides = array<i32>} : memref<20x512xi32, #tpu.memory_space<vmem>>, vector<16xi32>,
      %mul3A_409 = arith.constant 2 : i32
      %mul3A_410 = vector.broadcast %mul3A_409 : i32 to vector<16xi32>
      %mul3A_411 = arith.muli %add3A_404, %mul3A_410 : vector<16xi32>
      %sub3A_412 = arith.constant 1 : i32
      %sub3A_413 = vector.broadcast %sub3A_412 : i32 to vector<16xi32>
      %sub3A_414 = arith.subi %sub3A_413, %get3A_408 : vector<16xi32>
      %shift_right_arithmetic3A_415 = arith.constant 1 : i32
      %shift_right_arithmetic3A_416 = vector.broadcast %shift_right_arithmetic3A_415 : i32 to vector<16xi32>
      %shift_right_arithmetic3A_417 = arith.shrsi %sub3A_414, %shift_right_arithmetic3A_416 : vector<16xi32>
      %add3A_418 = arith.addi %mul3A_411, %shift_right_arithmetic3A_417 : vector<16xi32>
      %get3A_419 = arith.constant 18 : i32
      %get3A_420 = arith.index_cast %get3A_419 : i32 to index
      %get3A_421 = arith.index_cast %multiple_of3A : i32 to index
      %get3A_422 = tpu.vector_load %arg7[%get3A_420, %get3A_421] {strides = array<i32>} : memref<20x512xi32, #tpu.memory_space<vmem>>, vector<16xi32>,
      %mul3A_423 = arith.constant 2 : i32
      %mul3A_424 = vector.broadcast %mul3A_423 : i32 to vector<16xi32>
      %mul3A_425 = arith.muli %add3A_418, %mul3A_424 : vector<16xi32>
      %sub3A_426 = arith.constant 1 : i32
      %sub3A_427 = vector.broadcast %sub3A_426 : i32 to vector<16xi32>
      %sub3A_428 = arith.subi %sub3A_427, %get3A_422 : vector<16xi32>
      %shift_right_arithmetic3A_429 = arith.constant 1 : i32
      %shift_right_arithmetic3A_430 = vector.broadcast %shift_right_arithmetic3A_429 : i32 to vector<16xi32>
      %shift_right_arithmetic3A_431 = arith.shrsi %sub3A_428, %shift_right_arithmetic3A_430 : vector<16xi32>
      %add3A_432 = arith.addi %mul3A_425, %shift_right_arithmetic3A_431 : vector<16xi32>
      %get3A_433 = arith.constant 19 : i32
      %get3A_434 = arith.index_cast %get3A_433 : i32 to index
      %get3A_435 = arith.index_cast %multiple_of3A : i32 to index
      %get3A_436 = tpu.vector_load %arg7[%get3A_434, %get3A_435] {strides = array<i32>} : memref<20x512xi32, #tpu.memory_space<vmem>>, vector<16xi32>,
      %mul3A_437 = arith.constant 2 : i32
      %mul3A_438 = vector.broadcast %mul3A_437 : i32 to vector<16xi32>
      %mul3A_439 = arith.muli %add3A_432, %mul3A_438 : vector<16xi32>
      %sub3A_440 = arith.constant 1 : i32
      %sub3A_441 = vector.broadcast %sub3A_440 : i32 to vector<16xi32>
      %sub3A_442 = arith.subi %sub3A_441, %get3A_436 : vector<16xi32>
      %shift_right_arithmetic3A_443 = arith.constant 1 : i32
      %shift_right_arithmetic3A_444 = vector.broadcast %shift_right_arithmetic3A_443 : i32 to vector<16xi32>
      %shift_right_arithmetic3A_445 = arith.shrsi %sub3A_442, %shift_right_arithmetic3A_444 : vector<16xi32>
      %add3A_446 = arith.addi %mul3A_439, %shift_right_arithmetic3A_445 : vector<16xi32>
      %swap3A = arith.index_cast %multiple_of3A : i32 to index
      %swap3A_447 = tpu.vector_load %arg8[%swap3A] {strides = array<i32>} : memref<512xi32, #tpu.memory_space<vmem>>, vector<16xi32>,
      tpu.vector_store %arg8[%swap3A], %add3A_446 {strides = array<i32>} : memref<512xi32, #tpu.memory_space<vmem>>, vector<16xi32>,
    }
    %scan3A_101 = arith.constant 8 : i32
    %dma_start3A_102 = arith.constant 384 : i32
    %dma_start3A_103 = tpu.memref_slice %arg9[%dma_start3A_102] : memref<512xf32, #tpu.memory_space<vmem>> -> memref<128xf32, #tpu.memory_space<vmem>>
    %dma_start3A_104 = arith.constant 384 : i32
    %dma_start3A_105 = tpu.memref_slice %arg8[%dma_start3A_104] : memref<512xi32, #tpu.memory_space<vmem>> -> memref<128xi32, #tpu.memory_space<vmem>>
    %dma_start3A_106 = arith.constant 0 : i32
    %dma_start3A_107 = tpu.memref_slice %arg3[%dma_start3A_106] : memref<1048576xf32, #tpu.memory_space<hbm>> -> memref<1048576xf32, #tpu.memory_space<hbm>>
    tpu.enqueue_indirect_dma source(%dma_start3A_107 : memref<1048576xf32, #tpu.memory_space<hbm>>) target(%dma_start3A_103 : memref<128xf32, #tpu.memory_space<vmem>>) offsets(%dma_start3A_105 : memref<128xi32, #tpu.memory_space<vmem>>) semaphore(%arg11 : memref<!tpu.dma_semaphore, #tpu.memory_space<semaphore_mem>>)
    %dma_start3A_108 = arith.constant 384 : i32
    %dma_start3A_109 = tpu.memref_slice %arg10[%dma_start3A_108] : memref<512xf32, #tpu.memory_space<vmem>> -> memref<128xf32, #tpu.memory_space<vmem>>
    %dma_start3A_110 = arith.constant 384 : i32
    %dma_start3A_111 = tpu.memref_slice %arg8[%dma_start3A_110] : memref<512xi32, #tpu.memory_space<vmem>> -> memref<128xi32, #tpu.memory_space<vmem>>
    %dma_start3A_112 = arith.constant 0 : i32
    %dma_start3A_113 = tpu.memref_slice %arg4[%dma_start3A_112] : memref<1048576xf32, #tpu.memory_space<hbm>> -> memref<1048576xf32, #tpu.memory_space<hbm>>
    tpu.enqueue_indirect_dma source(%dma_start3A_113 : memref<1048576xf32, #tpu.memory_space<hbm>>) target(%dma_start3A_109 : memref<128xf32, #tpu.memory_space<vmem>>) offsets(%dma_start3A_111 : memref<128xi32, #tpu.memory_space<vmem>>) semaphore(%arg12 : memref<!tpu.dma_semaphore, #tpu.memory_space<semaphore_mem>>)
    %dma_wait3A_114 = arith.constant 0 : i32
    %dma_wait3A_115 = tpu.memref_slice %arg9[%dma_wait3A_114] : memref<512xf32, #tpu.memory_space<vmem>> -> memref<128xf32, #tpu.memory_space<vmem>>
    %dma_wait3A_116 = arith.constant 0 : i32
    %dma_wait3A_117 = tpu.memref_slice %arg8[%dma_wait3A_116] : memref<512xi32, #tpu.memory_space<vmem>> -> memref<128xi32, #tpu.memory_space<vmem>>
    %dma_wait3A_118 = arith.constant 0 : i32
    %dma_wait3A_119 = tpu.memref_slice %arg3[%dma_wait3A_118] : memref<1048576xf32, #tpu.memory_space<hbm>> -> memref<1048576xf32, #tpu.memory_space<hbm>>
    tpu.wait_indirect_dma semaphore(%arg11 : memref<!tpu.dma_semaphore, #tpu.memory_space<semaphore_mem>>) src(%dma_wait3A_119 : memref<1048576xf32, #tpu.memory_space<hbm>>) dst(%dma_wait3A_115 : memref<128xf32, #tpu.memory_space<vmem>>)
    %dma_wait3A_120 = arith.constant 0 : i32
    %dma_wait3A_121 = tpu.memref_slice %arg10[%dma_wait3A_120] : memref<512xf32, #tpu.memory_space<vmem>> -> memref<128xf32, #tpu.memory_space<vmem>>
    %dma_wait3A_122 = arith.constant 0 : i32
    %dma_wait3A_123 = tpu.memref_slice %arg8[%dma_wait3A_122] : memref<512xi32, #tpu.memory_space<vmem>> -> memref<128xi32, #tpu.memory_space<vmem>>
    %dma_wait3A_124 = arith.constant 0 : i32
    %dma_wait3A_125 = tpu.memref_slice %arg4[%dma_wait3A_124] : memref<1048576xf32, #tpu.memory_space<hbm>> -> memref<1048576xf32, #tpu.memory_space<hbm>>
    tpu.wait_indirect_dma semaphore(%arg12 : memref<!tpu.dma_semaphore, #tpu.memory_space<semaphore_mem>>) src(%dma_wait3A_125 : memref<1048576xf32, #tpu.memory_space<hbm>>) dst(%dma_wait3A_121 : memref<128xf32, #tpu.memory_space<vmem>>)
    %dma_wait3A_126 = arith.constant 128 : i32
    %dma_wait3A_127 = tpu.memref_slice %arg9[%dma_wait3A_126] : memref<512xf32, #tpu.memory_space<vmem>> -> memref<128xf32, #tpu.memory_space<vmem>>
    %dma_wait3A_128 = arith.constant 128 : i32
    %dma_wait3A_129 = tpu.memref_slice %arg8[%dma_wait3A_128] : memref<512xi32, #tpu.memory_space<vmem>> -> memref<128xi32, #tpu.memory_space<vmem>>
    %dma_wait3A_130 = arith.constant 0 : i32
    %dma_wait3A_131 = tpu.memref_slice %arg3[%dma_wait3A_130] : memref<1048576xf32, #tpu.memory_space<hbm>> -> memref<1048576xf32, #tpu.memory_space<hbm>>
    tpu.wait_indirect_dma semaphore(%arg11 : memref<!tpu.dma_semaphore, #tpu.memory_space<semaphore_mem>>) src(%dma_wait3A_131 : memref<1048576xf32, #tpu.memory_space<hbm>>) dst(%dma_wait3A_127 : memref<128xf32, #tpu.memory_space<vmem>>)
    %dma_wait3A_132 = arith.constant 128 : i32
    %dma_wait3A_133 = tpu.memref_slice %arg10[%dma_wait3A_132] : memref<512xf32, #tpu.memory_space<vmem>> -> memref<128xf32, #tpu.memory_space<vmem>>
    %dma_wait3A_134 = arith.constant 128 : i32
    %dma_wait3A_135 = tpu.memref_slice %arg8[%dma_wait3A_134] : memref<512xi32, #tpu.memory_space<vmem>> -> memref<128xi32, #tpu.memory_space<vmem>>
    %dma_wait3A_136 = arith.constant 0 : i32
    %dma_wait3A_137 = tpu.memref_slice %arg4[%dma_wait3A_136] : memref<1048576xf32, #tpu.memory_space<hbm>> -> memref<1048576xf32, #tpu.memory_space<hbm>>
    tpu.wait_indirect_dma semaphore(%arg12 : memref<!tpu.dma_semaphore, #tpu.memory_space<semaphore_mem>>) src(%dma_wait3A_137 : memref<1048576xf32, #tpu.memory_space<hbm>>) dst(%dma_wait3A_133 : memref<128xf32, #tpu.memory_space<vmem>>)
    %dma_wait3A_138 = arith.constant 256 : i32
    %dma_wait3A_139 = tpu.memref_slice %arg9[%dma_wait3A_138] : memref<512xf32, #tpu.memory_space<vmem>> -> memref<128xf32, #tpu.memory_space<vmem>>
    %dma_wait3A_140 = arith.constant 256 : i32
    %dma_wait3A_141 = tpu.memref_slice %arg8[%dma_wait3A_140] : memref<512xi32, #tpu.memory_space<vmem>> -> memref<128xi32, #tpu.memory_space<vmem>>
    %dma_wait3A_142 = arith.constant 0 : i32
    %dma_wait3A_143 = tpu.memref_slice %arg3[%dma_wait3A_142] : memref<1048576xf32, #tpu.memory_space<hbm>> -> memref<1048576xf32, #tpu.memory_space<hbm>>
    tpu.wait_indirect_dma semaphore(%arg11 : memref<!tpu.dma_semaphore, #tpu.memory_space<semaphore_mem>>) src(%dma_wait3A_143 : memref<1048576xf32, #tpu.memory_space<hbm>>) dst(%dma_wait3A_139 : memref<128xf32, #tpu.memory_space<vmem>>)
    %dma_wait3A_144 = arith.constant 256 : i32
    %dma_wait3A_145 = tpu.memref_slice %arg10[%dma_wait3A_144] : memref<512xf32, #tpu.memory_space<vmem>> -> memref<128xf32, #tpu.memory_space<vmem>>
    %dma_wait3A_146 = arith.constant 256 : i32
    %dma_wait3A_147 = tpu.memref_slice %arg8[%dma_wait3A_146] : memref<512xi32, #tpu.memory_space<vmem>> -> memref<128xi32, #tpu.memory_space<vmem>>
    %dma_wait3A_148 = arith.constant 0 : i32
    %dma_wait3A_149 = tpu.memref_slice %arg4[%dma_wait3A_148] : memref<1048576xf32, #tpu.memory_space<hbm>> -> memref<1048576xf32, #tpu.memory_space<hbm>>
    tpu.wait_indirect_dma semaphore(%arg12 : memref<!tpu.dma_semaphore, #tpu.memory_space<semaphore_mem>>) src(%dma_wait3A_149 : memref<1048576xf32, #tpu.memory_space<hbm>>) dst(%dma_wait3A_145 : memref<128xf32, #tpu.memory_space<vmem>>)
    %dma_wait3A_150 = arith.constant 384 : i32
    %dma_wait3A_151 = tpu.memref_slice %arg9[%dma_wait3A_150] : memref<512xf32, #tpu.memory_space<vmem>> -> memref<128xf32, #tpu.memory_space<vmem>>
    %dma_wait3A_152 = arith.constant 384 : i32
    %dma_wait3A_153 = tpu.memref_slice %arg8[%dma_wait3A_152] : memref<512xi32, #tpu.memory_space<vmem>> -> memref<128xi32, #tpu.memory_space<vmem>>
    %dma_wait3A_154 = arith.constant 0 : i32
    %dma_wait3A_155 = tpu.memref_slice %arg3[%dma_wait3A_154] : memref<1048576xf32, #tpu.memory_space<hbm>> -> memref<1048576xf32, #tpu.memory_space<hbm>>
    tpu.wait_indirect_dma semaphore(%arg11 : memref<!tpu.dma_semaphore, #tpu.memory_space<semaphore_mem>>) src(%dma_wait3A_155 : memref<1048576xf32, #tpu.memory_space<hbm>>) dst(%dma_wait3A_151 : memref<128xf32, #tpu.memory_space<vmem>>)
    %dma_wait3A_156 = arith.constant 384 : i32
    %dma_wait3A_157 = tpu.memref_slice %arg10[%dma_wait3A_156] : memref<512xf32, #tpu.memory_space<vmem>> -> memref<128xf32, #tpu.memory_space<vmem>>
    %dma_wait3A_158 = arith.constant 384 : i32
    %dma_wait3A_159 = tpu.memref_slice %arg8[%dma_wait3A_158] : memref<512xi32, #tpu.memory_space<vmem>> -> memref<128xi32, #tpu.memory_space<vmem>>
    %dma_wait3A_160 = arith.constant 0 : i32
    %dma_wait3A_161 = tpu.memref_slice %arg4[%dma_wait3A_160] : memref<1048576xf32, #tpu.memory_space<hbm>> -> memref<1048576xf32, #tpu.memory_space<hbm>>
    tpu.wait_indirect_dma semaphore(%arg12 : memref<!tpu.dma_semaphore, #tpu.memory_space<semaphore_mem>>) src(%dma_wait3A_161 : memref<1048576xf32, #tpu.memory_space<hbm>>) dst(%dma_wait3A_157 : memref<128xf32, #tpu.memory_space<vmem>>)
    %dma_start3A_162 = tpu.memref_slice %arg5[%mul3A_2] : memref<16384xf32, #tpu.memory_space<hbm>> -> memref<512xf32, #tpu.memory_space<hbm>>
    %dma_start3A_163 = tpu.memref_slice %arg5[%mul3A_2] : memref<16384xf32, #tpu.memory_space<hbm>> -> memref<512xf32, #tpu.memory_space<hbm>>
    tpu.enqueue_dma source(%arg9 : memref<512xf32, #tpu.memory_space<vmem>>) target(%dma_start3A_163 : memref<512xf32, #tpu.memory_space<hbm>>) target_semaphore(%arg13 : memref<!tpu.dma_semaphore, #tpu.memory_space<semaphore_mem>>)
    "tpu.region"() ({
      %run_scoped3A = tpu.sem_alloc : memref<!tpu.dma_semaphore, #tpu.memory_space<semaphore_mem>>
      %dma_start3A_166 = tpu.memref_slice %arg6[%mul3A_2] : memref<16384xf32, #tpu.memory_space<hbm>> -> memref<512xf32, #tpu.memory_space<hbm>>
      %dma_start3A_167 = tpu.memref_slice %arg6[%mul3A_2] : memref<16384xf32, #tpu.memory_space<hbm>> -> memref<512xf32, #tpu.memory_space<hbm>>
      tpu.enqueue_dma source(%arg10 : memref<512xf32, #tpu.memory_space<vmem>>) target(%dma_start3A_167 : memref<512xf32, #tpu.memory_space<hbm>>) target_semaphore(%run_scoped3A : memref<!tpu.dma_semaphore, #tpu.memory_space<semaphore_mem>>)
      %dma_wait3A_168 = tpu.memref_slice %arg6[%mul3A_2] : memref<16384xf32, #tpu.memory_space<hbm>> -> memref<512xf32, #tpu.memory_space<hbm>>
      %dma_wait3A_169 = tpu.memref_slice %arg6[%mul3A_2] : memref<16384xf32, #tpu.memory_space<hbm>> -> memref<512xf32, #tpu.memory_space<hbm>>
      tpu.wait_dma2 semaphore(%run_scoped3A : memref<!tpu.dma_semaphore, #tpu.memory_space<semaphore_mem>>) src(%arg10 : memref<512xf32, #tpu.memory_space<vmem>>) dst(%dma_wait3A_169 : memref<512xf32, #tpu.memory_space<hbm>>)
      tpu.yield
    }) : () -> ()
    %dma_wait3A_164 = tpu.memref_slice %arg5[%mul3A_2] : memref<16384xf32, #tpu.memory_space<hbm>> -> memref<512xf32, #tpu.memory_space<hbm>>
    %dma_wait3A_165 = tpu.memref_slice %arg5[%mul3A_2] : memref<16384xf32, #tpu.memory_space<hbm>> -> memref<512xf32, #tpu.memory_space<hbm>>
    tpu.wait_dma2 semaphore(%arg13 : memref<!tpu.dma_semaphore, #tpu.memory_space<semaphore_mem>>) src(%arg9 : memref<512xf32, #tpu.memory_space<vmem>>) dst(%dma_wait3A_165 : memref<512xf32, #tpu.memory_space<hbm>>)
    return
  }
}

</mosaic_0001>

<sc_bundles>
// kernel: kernel.3.cloned.1.call-start
scs
__scs_entry_jumppad:
0x0: {  	(pc) =	sbr.rel $0x88, $3  }
0x1: {  	(tag) =	ssettag $0x0;
	lr =	simm.s32 $0x1  }
0x2: {  	[smem:$0x3F9E] =	sst lr;
	_ =	strace $0xD0000000  }
0x3: {  	_ = 	snop  }
0x4: {  	_ = 	snop  }
0x5: {  	_ = 	snop  }
0x6: {  	_ = 	snop  }
0x7: {  	_ = 	snop  }
__scs_overlays_trampoline_lowered:
0x8: {  	[smem:$0x3FAD] =	sst s0  }
0x9: {  	[smem:$0x3FAE] =	sst s1  }
0xa: {  	[smem:$0x3FAF] =	sst s2  }
0xb: {  	[smem:$0x3FB0] =	sst s3  }
0xc: {  	[smem:$0x3FB1] =	sst s4  }
0xd: {  	[smem:$0x3FB2] =	sst s5  }
0xe: {  	[smem:$0x3FB3] =	sst s6  }
0xf: {  	[smem:$0x3FB4] =	sst s7  }
0x10: {  	[smem:$0x3FB5] =	sst s8  }
0x11: {  	[smem:$0x3FB6] =	sst s9;
	s0 =	simm.s32 @!p0 $0x0  }
0x12: {  	s1 =	sld [smem:$0x3F9C];
	s0 =	simm.s32 @p0 $0x1  }
0x13: {  	[smem:$0x3FB7] =	sst s0;
	s0 =	simm.s32 @!p1 $0x0  }
0x14: {  	s2 =	sld [smem:$0x3F9B];
	s0 =	simm.s32 @p1 $0x1  }
0x15: {  	[smem:$0x3FB8] =	sst s0;
	s0 =	simm.s32 @!p2 $0x0  }
0x16: {  	s3 =	sld [smem:$0x3FDB];
	s0 =	simm.s32 @p2 $0x1  }
0x17: {  	s4 =	simm.s32 $0x1BF5;
	[smem:$0x3FBA] =	sst s0  }
0x18: {  	s0 =	sld [smem:$0x3F9D];
	_ =	swait.ge [sflag:s4], $0x0  }
0x19: {  	s7 =	sld [smem:$0x3F9E]  }
0x1a: {  	s8 =	sadd.s32 $0xFFFFE003, lr  }
0x1b: {  	s9 =	sadd.s32 $0xFFFFFEF7, lr;
	s5 =	simm.s32 $0xFFFFFFFF;
	p2 =	slt.u32 s8, $0xFFFFF086  }
0x1c: {  	p1 =	slt.u32 s9, $0xF7A;
	s5 =	simm.s32 @!p2 $0x0  }
0x1d: {  	s5 =	simm.s32 @p1 $0x1;
	p0 =	seq.s32 s7, s2  }
0x1e: {  	s7 =	smul.u32 @!p0 $0xF7A, s2;
	p2 =	seq.s32 @!p0 s5, $0x0  }
0x1f: {  	s9 =	smul.u32 $0xF7A, s1;
	s8 =	simm.s32 @!p0 $0x1BF5;
	p2 =	por !p2, p0  }
0x20: {  	[sflag:s8] =	ssyncset.s32 @!p0 $0xFFFFF086;
	s6 =	sadd.s32 @!p0 s3, s7;
	s7 =	simm.s32 @!p0 $0x108  }
0x21: {  	s3 =	sadd.s32 s3, s9;
	s6 =	sadd.s32 @!p0 $0x88, s6;
	s7 =	simm.s32 @p2 $0x1082  }
0x22: {  	[simem:s7], [sflag:s8] =	dma.local @!p0 [hbm:s6], $0xF7A  }
0x23: {  	s9 =	sor.u32 $0xD0000000, s2;
	s6 =	simm.s32 $0x108;
	_ =	swait.ge @!p0 [sflag:s8], $0x0  }
0x24: {  	s3 =	sadd.s32 $0x88, s3;
	s6 =	simm.s32 @!p1 $0x1082;
	[sflag:s4] =	ssyncset.s32 $0xFFFFF086  }
0x25: {  	[simem:s6], [sflag:s4] =	dma.local [hbm:s3], $0xF7A  }
0x26: {  	[smem:$0x3F9E] =	sst s1;
	(tag) =	ssettag s2;
	_ =	strace s9  }
0x27: {  	s1 =	sld [smem:$0x3FAE]  }
0x28: {  	s2 =	sld [smem:$0x3FAF]  }
0x29: {  	s4 =	sld [smem:$0x3FB1]  }
0x2a: {  	p0 =	seq.s32 s5, $0x0;
	s5 =	sld [smem:$0x3FB2]  }
0x2b: {  	s6 =	sld [smem:$0x3FB3]  }
0x2c: {  	s7 =	sld [smem:$0x3FB4]  }
0x2d: {  	s3 =	simm.s32 $0x108;
	s8 =	sld [smem:$0x3FB5]  }
0x2e: {  	s3 =	simm.s32 @!p0 $0x1082;
	s9 =	sld [smem:$0x3FB6]  }
0x2f: {  	lr =	sadd.s32 s0, s3;
	s0 =	sld [smem:$0x3FAD]  }
0x30: {  	s3 =	sld [smem:$0x3FB0]  }
0x31: {  	[smem:$0x3FB9] =	sst s10  }
0x32: {  	s10 =	sld [smem:$0x3FB7];
	_ =	sdelay $0x3  }
0x33: {  	p0 =	seq.s32 s10, $0x1;
	s10 =	sld [smem:$0x3FB9];
	_ =	sdelay $0x3  }
0x34: {  	[smem:$0x3FB9] =	sst s10  }
0x35: {  	s10 =	sld [smem:$0x3FB8];
	_ =	sdelay $0x3  }
0x36: {  	p1 =	seq.s32 s10, $0x1;
	s10 =	sld [smem:$0x3FB9];
	_ =	sdelay $0x3  }
0x37: {  	[smem:$0x3FB9] =	sst s10  }
0x38: {  	s10 =	sld [smem:$0x3FBA]  }
0x39: {  	_ = 	snop;
	(pc) =	sbr.ind lr, $3  }
0x3a: {  	_ = 	snop  }
0x3b: {  	_ = 	snop  }
0x3c: {  	p2 =	seq.s32 s10, $0x1;
	s10 =	sld [smem:$0x3FB9]  }
0x3d: {  	_ =	shalt  }
0x3e: {  	_ =	shalt  }
0x3f: {  	_ =	shalt  }
0x40: {  	_ =	shalt  }
0x41: {  	_ =	shalt  }
0x42: {  	_ =	shalt  }
0x43: {  	_ =	shalt  }
0x44: {  	_ =	shalt  }
0x45: {  	_ =	shalt  }
0x46: {  	_ =	shalt  }
0x47: {  	_ =	shalt  }
0x48: {  	_ =	shalt  }
0x49: {  	_ =	shalt  }
0x4a: {  	_ =	shalt  }
0x4b: {  	_ =	shalt  }
0x4c: {  	_ =	shalt  }
0x4d: {  	_ =	shalt  }
0x4e: {  	_ =	shalt  }
0x4f: {  	_ =	shalt  }
0x50: {  	_ =	shalt  }
0x51: {  	_ =	shalt  }
0x52: {  	_ =	shalt  }
0x53: {  	_ =	shalt  }
0x54: {  	_ =	shalt  }
0x55: {  	_ =	shalt  }
0x56: {  	_ =	shalt  }
0x57: {  	_ =	shalt  }
0x58: {  	_ =	shalt  }
0x59: {  	_ =	shalt  }
0x5a: {  	_ =	shalt  }
0x5b: {  	_ =	shalt  }
0x5c: {  	_ =	shalt  }
0x5d: {  	_ =	shalt  }
0x5e: {  	_ =	shalt  }
0x5f: {  	_ =	shalt  }
0x60: {  	_ =	shalt  }
0x61: {  	_ =	shalt  }
0x62: {  	_ =	shalt  }
0x63: {  	_ =	shalt  }
0x64: {  	_ =	shalt  }
0x65: {  	_ =	shalt  }
0x66: {  	_ =	shalt  }
0x67: {  	_ =	shalt  }
0x68: {  	_ =	shalt  }
0x69: {  	_ =	shalt  }
0x6a: {  	_ =	shalt  }
0x6b: {  	_ =	shalt  }
0x6c: {  	_ =	shalt  }
0x6d: {  	_ =	shalt  }
0x6e: {  	_ =	shalt  }
0x6f: {  	_ =	shalt  }
0x70: {  	_ =	shalt  }
0x71: {  	_ =	shalt  }
0x72: {  	_ =	shalt  }
0x73: {  	_ =	shalt  }
0x74: {  	_ =	shalt  }
0x75: {  	_ =	shalt  }
0x76: {  	_ =	shalt  }
0x77: {  	_ =	shalt  }
0x78: {  	_ =	shalt  }
0x79: {  	_ =	shalt  }
0x7a: {  	_ =	shalt  }
0x7b: {  	_ =	shalt  }
0x7c: {  	_ =	shalt  }
0x7d: {  	_ =	shalt  }
0x7e: {  	_ =	shalt  }
0x7f: {  	_ =	shalt  }
0x80: {  	_ =	shalt  }
0x81: {  	_ =	shalt  }
0x82: {  	_ =	shalt  }
0x83: {  	_ =	shalt  }
0x84: {  	_ =	shalt  }
0x85: {  	_ =	shalt  }
0x86: {  	_ =	shalt  }
0x87: {  	_ =	shalt  }
.Lfunc_end0:
.L_simem_size_0:
called_computation_lowered:
.L_overlay_start_0:
0x88: {  	s2 =	sld [smem:$0x3FD9]  }
0x89: {  	s3 =	sld [smem:$0x3FFE];
	_ =	sdelay $0x1  }
0x8a: {  	s1 =	srdreg.scid  }
0x8b: {  	s0 =	sand.u32 $0x1, s1  }
0x8c: {  	s17 =	sshll.u32 s0, $0xA;
	s2 =	sadd.s32 s3, s2  }
0x8d: {  	s2 =	sadd.s32 s2, s17  }
0x8e: {  	[smem:$0x3FC5] =	sst s2  }
0x8f: {  	_ = 	snop  }
0x90: {  	s2 =	sld [smem:$0x3FC9]  }
0x91: {  	s18 =	sld [smem:$0x3FC8]  }
0x92: {  	s4 =	sld [smem:$0x3FC7];
	(tm) =	ssettm $0x1  }
0x93: {  	s5 =	sld [smem:$0x3FFB];
	_ =	sdelay $0x3  }
0x94: {  	_ =	strace s5  }
0x95: {  	s5 =	sld [smem:$0x3FFC];
	_ =	sdelay $0x3  }
0x96: {  	_ =	strace s5  }
0x97: {  	s5 =	sld [smem:$0x3FFD];
	_ =	sdelay $0x3  }
0x98: {  	_ =	strace s5  }
0x99: {  	_ =	strace $0x8FFFFFFF  }
0x9a: {  	s19 =	sld [smem:$0x3FDB];
	_ =	sdelay $0x1  }
0x9b: {  	s6 =	simm.s32 $_scs_section_size  }
0x9c: {  	s7 =	simm.s32 $_size__tile_overlayer_lowered;
	s8 =	simm.s32 $_tile_overlayer_lowered  }
0x9d: {  	s22 =	simm.s32 $0x1BFF;
	s21 =	sshll.u32 s8, $0x1;
	s5 =	sadd.s32 s6, s19  }
0x9e: {  	s9 =	simm.s32 $0x0;
	s20 =	sshll.u32 s7, $0x1;
	s7 =	sadd.s32 s21, s5  }
0x9f: {  	[timem:s9], [sflag:s22] =	dma.local [hbm:s7], s20  }
0xa0: {  	_ =	swait.ge [sflag:s22], s20  }
0xa1: {  	s6 =	ssub.s32 $0x0, s20;
	[sflag:s22] =	ssyncset.done $0x0  }
0xa2: {  	[sflag:s22] =	ssyncadd.s32 s6;
	_ =	sdelay $0x1  }
0xa3: {  	s23 =	simm.s32 $0x1B8B  }
0xa4: {  	_ =	swait.ge [sflag:s23], $0x1  }
0xa5: {  	[sflag:s23] =	ssyncset.done $0x0  }
0xa6: {  	s25 =	simm.s32 $0x1B8E;
	s24 =	sld [smem:$0x3FFE];
	[sflag:s23] =	ssyncadd.s32 $0xFFFFFFFF  }
0xa7: {  	s26 =	simm.s32 $execute0_lowered;
	[smem:$0x3FD2] =	sst s25  }
0xa8: {  	s7 =	sshll.u32 s26, $0x1;
	_ =	strace $0x80000046;
	[dreg:$0x1] =	wrdreg $0xFFFFFFFF  }
0xa9: {  	s28 =	simm.s32 $_size_execute0_lowered;
	s5 =	sadd.s32 s5, s7;
	[dreg:$0x0] =	wrdreg $0x0  }
0xaa: {  	s7 =	sshll.u32 s28, $0x1;
	[dreg:$0x2] =	wrdreg s5  }
0xab: {  	[dreg:$0x3] =	wrdreg s7  }
0xac: {  	[dreg:$0x4] =	wrdreg $0xC0  }
0xad: {  	_ =	task [dreg:s9], $0x5FFFF  }
0xae: {  	[dreg:$0x1] =	wrdreg $0xFFFFFFFF  }
0xaf: {  	[dreg:$0x0] =	wrdreg $0x60  }
0xb0: {  	[dreg:$0x2] =	wrdreg s2  }
0xb1: {  	[dreg:$0x3] =	wrdreg s18  }
0xb2: {  	[dreg:$0x4] =	wrdreg s4  }
0xb3: {  	[dreg:$0x5] =	wrdreg s24  }
0xb4: {  	[dreg:$0x6] =	wrdreg $0x9  }
0xb5: {  	_ =	task.clear_ibuf [dreg:s9], $0x7FFFF;
	_ =	strace $0x90000046  }
0xb6: {  	s29 =	simm.s32 $0x9;
	_ =	strace $0x80000048  }
0xb7: {  	_ =	swait.ge [sflag:s29], $0x1  }
0xb8: {  	[sflag:s29] =	ssyncadd.s32 $0xFFFFFFFF  }
0xb9: {  	_ =	strace $0x90000048  }
0xba: {  	_ =	sfence  }
0xbb: {  	s30 =	sld [smem:$0x0];
	_ =	sdelay $0x2  }
0xbc: {  	s31 =	sshll.u32 s1, $0xD;
	s1 =	sshrl.u32 s1, $0x2  }
0xbd: {  	s3 =	sand.u32 $0x4000, s31;
	s1 =	sadd.s32 s1, s30  }
0xbe: {  	s0 =	sor.u32 s3, s0;
	s1 =	sshll.u32 s1, $0x11  }
0xbf: {  	s0 =	sor.u32 s1, s0  }
0xc0: {  	s0 =	sadd.s32 $0x8F2B, s0  }
0xc1: {  	[sflag:s0] =	ssyncadd.remote.s32 $0x1  }
0xc2: {  	_ =	sfence.sel $0xFFFF  }
0xc3: {  	[dreg:$0x0] =	wrdreg $0xFFFFFFFF;
	(pc) =	sbr.abs _section_cstart, $3  }
0xc4: {  	[dreg:$0x1] =	wrdreg $0xFFFFFFFF  }
0xc5: {  	_ =	task.clear_ibuf [dreg:s9], $0x2FFFF;
	_ =	strace $0x9FFFFFFF  }
0xc6: {  	(tm) =	ssettm $0x7FFFFFFF  }
0xc7: {  	_ =	shalt  }
tec
execute0_lowered:
.L_overlay_start_1:
0x0: {  	(tag) =	ssettag $0x1  }
0x1: {  	s0 =	rddreg [dreg:$0x0]  }
0x2: {  	s1 =	rddreg [dreg:$0x1]  }
0x3: {  	s2 =	rddreg [dreg:$0x2]  }
0x4: {  	s3 =	rddreg [dreg:$0x3];
	s5 =	srdreg.scid;
	s4 =	simm.s32 $0x0  }
0x5: {  	s6 =	stileid.u32;
	s19 =	simm.s32 $0x1;
	s20 =	simm.s32 $0x80  }
0x6: {  	s21 =	simm.s32 $0x3000;
	s22 =	simm.s32 $0x3200;
	s23 =	simm.s32 $0x3400  }
0x7: {  	s24 =	simm.s32 $0x3080;
	s28 =	simm.s32 $0x2;
	s29 =	simm.s32 $0x3100  }
0x8: {  	s15 =	simm.s32 $0x4;
	s16 =	simm.s32 $0x3;
	s5 =	sand.u32 $0x1, s5  }
0x9: {  	s17 =	simm.s32 $0x0;
	s6 =	sshll.u32 s6, $0xA;
	s7 =	sshll.u32 s5, $0x9  }
0xa: {  	[smem:$0x7FF] =	sst s4;
	s26 =	ssub.s32 $0x2, s5;
	s6 =	sor.u32 s7, s6  }
0xb: {  	_ =	strace $0x80000047;
	s9 =	sshrl.u32 s26, $0x1;
	s8 =	sshrl.u32 s6, $0x3  }
0xc: {  	s5 =	sadd.s32 s0, s6;
	s31 =	ssub.s32 s26, s9;
	s0 =	simm.s32 $0x3180  }
0xd: {  	s30 =	sadd.s32 s8, s3;
	s6 =	sadd.s32 $0x100, s5;
	s9 =	smax.u32 s31, $0x1  }
0xe: {  	s10 =	sadd.s32 $0x4000, s5;
	s11 =	sadd.s32 $0x8000, s5;
	s12 =	sadd.s32 $0x4100, s5  }
0xf: {  	s13 =	sadd.s32 $0x8100, s5;
	s7 =	sadd.s32 $0x800, s30;
	s8 =	sadd.s32 $0x1000, s30  }
.LBB2_1:
0x10: {  	[tilespmem:s4], [sflag:$0x1] =	stream.linear.gather [hbm4b:s5+s4], $0x800, $0x38;
	[tilespmem:$0x3600] =	vst v63  }
0x11: {  	s3 =	simm.s32 $0x1000  }
0x12: {  	[tilespmem:s3], [sflag:$0x1] =	stream.linear.gather [hbm4b:s10+s4], $0x800, $0x38;
	[tilespmem:$0x3600] =	vst v63  }
0x13: {  	s18 =	simm.s32 $0x2000  }
0x14: {  	[tilespmem:s18], [sflag:$0x1] =	stream.linear.gather [hbm4b:s11+s4], $0x800, $0x38;
	[tilespmem:$0x3600] =	vst v63  }
0x15: {  	s25 =	simm.s32 $0x800  }
0x16: {  	[tilespmem:s25], [sflag:$0x2] =	stream.linear.gather [hbm4b:s6+s4], $0x800, $0x38;
	[tilespmem:$0x3600] =	vst v63  }
0x17: {  	s26 =	simm.s32 $0x1800  }
0x18: {  	[tilespmem:s26], [sflag:$0x2] =	stream.linear.gather [hbm4b:s12+s4], $0x800, $0x38;
	[tilespmem:$0x3600] =	vst v63  }
0x19: {  	s31 =	simm.s32 $0x2800  }
0x1a: {  	[tilespmem:s31], [sflag:$0x2] =	stream.linear.gather [hbm4b:s13+s4], $0x800, $0x38;
	[tilespmem:$0x3600] =	vst v63  }
0x1b: {  	_ =	swait.ge [sflag:s19], $0x1800  }
0x1c: {  	[sflag:s19] =	ssyncset.done $0x0  }
0x1d: {  	s26 =	simm.s32 $0x0;
	[sflag:s19] =	ssyncadd.s32 $0xFFFFE800  }
0x1e: {  	v0 =	vld [tilespmem:s26+$0x0];
	_ =	sdelay $0x2  }
0x1f: {  	v1 =	vld [tilespmem:s26+$0x80];
	_ =	sdelay $0x1  }
0x20: {  	v0 =	vshll.u32 v0, $0x1  }
0x21: {  	v0 =	vsub.s32 $0x2, v0  }
0x22: {  	v2 =	vld [tilespmem:s26+$0x100];
	v0 =	vand.u32 $0x7FFC, v0  }
0x23: {  	v0 =	vsub.s32 v0, v1  }
0x24: {  	v0 =	vshll.u32 v0, $0x1  }
0x25: {  	v0 =	vadd.s32 $0x2, v0  }
0x26: {  	v1 =	vld [tilespmem:s26+$0x180];
	v0 =	vand.u32 $0xFFFC, v0  }
0x27: {  	v0 =	vsub.s32 v0, v2  }
0x28: {  	v0 =	vshll.u32 v0, $0x1  }
0x29: {  	v0 =	vadd.s32 $0x2, v0  }
0x2a: {  	v2 =	vld [tilespmem:s26+$0x200];
	v0 =	vand.u32 $0x1FFFC, v0  }
0x2b: {  	v0 =	vsub.s32 v0, v1  }
0x2c: {  	v0 =	vshll.u32 v0, $0x1  }
0x2d: {  	v0 =	vadd.s32 $0x2, v0  }
0x2e: {  	v1 =	vld [tilespmem:s26+$0x280];
	v0 =	vand.u32 $0x3FFFC, v0  }
0x2f: {  	v0 =	vsub.s32 v0, v2  }
0x30: {  	v0 =	vshll.u32 v0, $0x1  }
0x31: {  	v0 =	vadd.s32 $0x2, v0  }
0x32: {  	v2 =	vld [tilespmem:s26+$0x300];
	v0 =	vand.u32 $0x7FFFC, v0  }
0x33: {  	v0 =	vsub.s32 v0, v1  }
0x34: {  	s25 =	simm.s32 $0x10;
	v0 =	vshll.u32 v0, $0x1  }
0x35: {  	v1 =	vld [tilespmem:s25+$0x0];
	v0 =	vadd.s32 $0x2, v0  }
0x36: {  	v3 =	vld [tilespmem:s26+$0x380];
	v0 =	vand.u32 $0xFFFFC, v0  }
0x37: {  	v0 =	vsub.s32 v0, v2  }
0x38: {  	v2 =	vld [tilespmem:s25+$0x80];
	v0 =	vshll.u32 v0, $0x1  }
0x39: {  	v0 =	vadd.s32 $0x2, v0  }
0x3a: {  	v4 =	vld [tilespmem:s26+$0x1000];
	v1 =	vshll.u32 v1, $0x1;
	v0 =	vand.u32 $0x1FFFFC, v0  }
0x3b: {  	v1 =	vsub.s32 $0x2, v1;
	v0 =	vsub.s32 v0, v3  }
0x3c: {  	v1 =	vand.u32 $0x7FFC, v1;
	v3 =	vld [tilespmem:s25+$0x100];
	v0 =	vshll.u32 v0, $0x1  }
0x3d: {  	v1 =	vsub.s32 v1, v2;
	v0 =	vadd.s32 $0x2, v0  }
0x3e: {  	v2 =	vld [tilespmem:s26+$0x1080];
	v1 =	vshll.u32 v1, $0x1;
	v0 =	vand.u32 $0x3FFFFC, v0  }
0x3f: {  	v1 =	vadd.s32 $0x2, v1;
	v0 =	vsub.s32 v0, v4  }
0x40: {  	v4 =	vld [tilespmem:s25+$0x180];
	v1 =	vand.u32 $0xFFFC, v1;
	v0 =	vshll.u32 v0, $0x1  }
0x41: {  	v1 =	vsub.s32 v1, v3;
	v0 =	vadd.s32 $0x2, v0  }
0x42: {  	v3 =	vld [tilespmem:s26+$0x1100];
	v1 =	vshll.u32 v1, $0x1;
	v0 =	vand.u32 $0x7FFFFC, v0  }
0x43: {  	v1 =	vadd.s32 $0x2, v1;
	v0 =	vsub.s32 v0, v2  }
0x44: {  	v2 =	vld [tilespmem:s25+$0x200];
	v1 =	vand.u32 $0x1FFFC, v1;
	v0 =	vshll.u32 v0, $0x1  }
0x45: {  	v1 =	vsub.s32 v1, v4;
	v0 =	vadd.s32 $0x2, v0  }
0x46: {  	v4 =	vld [tilespmem:s26+$0x1180];
	v1 =	vshll.u32 v1, $0x1;
	v0 =	vand.u32 $0xFFFFFC, v0  }
0x47: {  	v1 =	vadd.s32 $0x2, v1;
	v0 =	vsub.s32 v0, v3  }
0x48: {  	v3 =	vld [tilespmem:s25+$0x280];
	v1 =	vand.u32 $0x3FFFC, v1;
	v0 =	vshll.u32 v0, $0x1  }
0x49: {  	v1 =	vsub.s32 v1, v2;
	v0 =	vadd.s32 $0x2, v0  }
0x4a: {  	v2 =	vld [tilespmem:s26+$0x1200];
	v1 =	vshll.u32 v1, $0x1;
	v0 =	vand.u32 $0x1FFFFFC, v0  }
0x4b: {  	s18 =	simm.s32 $0x20;
	v5 =	vld [tilespmem:s25+$0x300];
	v1 =	vadd.s32 $0x2, v1;
	v0 =	vsub.s32 v0, v4  }
0x4c: {  	v6 =	vld [tilespmem:s18+$0x0];
	v1 =	vand.u32 $0x7FFFC, v1;
	v0 =	vshll.u32 v0, $0x1  }
0x4d: {  	v4 =	vld [tilespmem:s26+$0x2180];
	v1 =	vsub.s32 v1, v3;
	v0 =	vadd.s32 $0x2, v0  }
0x4e: {  	v3 =	vld [tilespmem:s26+$0x1280];
	v1 =	vshll.u32 v1, $0x1;
	v0 =	vand.u32 $0x3FFFFFC, v0  }
0x4f: {  	v1 =	vadd.s32 $0x2, v1;
	v0 =	vsub.s32 v0, v2  }
0x50: {  	v2 =	vld [tilespmem:s25+$0x380];
	v1 =	vand.u32 $0xFFFFC, v1;
	v0 =	vshll.u32 v0, $0x1  }
0x51: {  	v7 =	vld [tilespmem:s18+$0x80];
	v1 =	vsub.s32 v1, v5;
	v0 =	vadd.s32 $0x2, v0  }
0x52: {  	v6 =	vshll.u32 v6, $0x1;
	v5 =	vld [tilespmem:s26+$0x1300];
	v1 =	vshll.u32 v1, $0x1;
	v0 =	vand.u32 $0x7FFFFFC, v0  }
0x53: {  	v4 =	vsub.s32 $0x1, v4;
	v1 =	vadd.s32 $0x2, v1;
	v0 =	vsub.s32 v0, v3  }
0x54: {  	v3 =	vld [tilespmem:s25+$0x1000];
	v1 =	vand.u32 $0x1FFFFC, v1;
	v8 =	vshll.u32 v0, $0x1;
	v0 =	vshra.s32 v4, $0x1  }
0x55: {  	v4 =	vsub.s32 $0x2, v6;
	v1 =	vsub.s32 v1, v2;
	v2 =	vld [tilespmem:s26+$0x1380];
	v6 =	vadd.s32 $0x2, v8  }
0x56: {  	v8 =	vld [tilespmem:s18+$0x100];
	v4 =	vand.u32 $0x7FFC, v4;
	v1 =	vshll.u32 v1, $0x1;
	v6 =	vand.u32 $0xFFFFFFC, v6  }
0x57: {  	v4 =	vsub.s32 v4, v7;
	v1 =	vadd.s32 $0x2, v1;
	v5 =	vsub.s32 v6, v5  }
0x58: {  	v4 =	vshll.u32 v4, $0x1;
	v6 =	vld [tilespmem:s25+$0x1080];
	v1 =	vand.u32 $0x3FFFFC, v1;
	v5 =	vshll.u32 v5, $0x1  }
0x59: {  	v7 =	vld [tilespmem:s18+$0x180];
	v4 =	vadd.s32 $0x2, v4;
	v1 =	vsub.s32 v1, v3;
	v5 =	vadd.s32 $0x2, v5  }
0x5a: {  	v3 =	vld [tilespmem:s26+$0x2000];
	v4 =	vand.u32 $0xFFFC, v4;
	v1 =	vshll.u32 v1, $0x1;
	v5 =	vand.u32 $0x1FFFFFFC, v5  }
0x5b: {  	v4 =	vsub.s32 v4, v8;
	v1 =	vadd.s32 $0x2, v1;
	v2 =	vsub.s32 v5, v2  }
0x5c: {  	v4 =	vshll.u32 v4, $0x1;
	v5 =	vld [tilespmem:s25+$0x1100];
	v1 =	vand.u32 $0x7FFFFC, v1;
	v2 =	vshll.u32 v2, $0x1  }
0x5d: {  	v8 =	vld [tilespmem:s18+$0x200];
	v4 =	vadd.s32 $0x2, v4;
	v1 =	vsub.s32 v1, v6;
	v2 =	vadd.s32 $0x2, v2  }
0x5e: {  	v6 =	vld [tilespmem:s26+$0x2080];
	v4 =	vand.u32 $0x1FFFC, v4;
	v1 =	vshll.u32 v1, $0x1;
	v2 =	vand.u32 $0x3FFFFFFC, v2  }
0x5f: {  	v4 =	vsub.s32 v4, v7;
	v1 =	vadd.s32 $0x2, v1;
	v2 =	vsub.s32 v2, v3  }
0x60: {  	v3 =	vshll.u32 v4, $0x1;
	v4 =	vld [tilespmem:s25+$0x1180];
	v1 =	vand.u32 $0xFFFFFC, v1;
	v2 =	vshll.u32 v2, $0x1  }
0x61: {  	v7 =	vld [tilespmem:s18+$0x280];
	v3 =	vadd.s32 $0x2, v3;
	v1 =	vsub.s32 v1, v5;
	v2 =	vadd.s32 $0x2, v2  }
0x62: {  	v5 =	vld [tilespmem:s26+$0x2100];
	v3 =	vand.u32 $0x3FFFC, v3;
	v1 =	vshll.u32 v1, $0x1;
	v2 =	vand.u32 $0x7FFFFFFC, v2  }
0x63: {  	v3 =	vsub.s32 v3, v8;
	v1 =	vadd.s32 $0x2, v1;
	v2 =	vsub.s32 v2, v6  }
0x64: {  	v6 =	vshll.u32 v3, $0x1;
	v3 =	vld [tilespmem:s25+$0x1200];
	v1 =	vand.u32 $0x1FFFFFC, v1;
	v2 =	vshll.u32 v2, $0x1  }
0x65: {  	v6 =	vadd.s32 $0x2, v6;
	v8 =	vsub.s32 v1, v4;
	v1 =	vld [tilespmem:s25+$0x2180];
	v2 =	vadd.s32 $0x2, v2  }
0x66: {  	v4 =	vld [tilespmem:s18+$0x300];
	v6 =	vand.u32 $0x7FFFC, v6;
	v8 =	vshll.u32 v8, $0x1;
	v9 =	vand.u32 $0xFFFFFFFC, v2  }
0x67: {  	s30 =	simm.s32 $0x30;
	v6 =	vsub.s32 v6, v7;
	v2 =	vld [tilespmem:s25+$0x1280];
	v7 =	vadd.s32 $0x2, v8;
	v8 =	vsub.s32 v9, v5  }
0x68: {  	s3 =	simm.s32 $0x100;
	v5 =	vld [tilespmem:s30+$0x0];
	v6 =	vshll.u32 v6, $0x1;
	v7 =	vand.u32 $0x3FFFFFC, v7;
	v8 =	vadd.s32 $0x1, v8  }
.LBB2_2:
0x69: {  	p0 =	sne.s32 s3, $0x1C0;
	v6 =	vadd.s32 $0x2, v6;
	v3 =	vsub.s32 v7, v3;
	v7 =	vand.u32 $0xFFFFFFFE, v8  }
0x6a: {  	v8 =	vld [tilespmem:s18+$0x380];
	v6 =	vand.u32 $0xFFFFC, v6;
	v3 =	vshll.u32 v3, $0x1;
	v0 =	vadd.s32 v0, v7  }
0x6b: {  	v4 =	vsub.s32 v6, v4;
	v6 =	vld [tilespmem:s25+$0x1300];
	v3 =	vadd.s32 $0x2, v3;
	[tilespmem:s26+$0x3000] =	vst v0;
	s26 =	smov.u32 s25;
	s25 =	smov.u32 s18;
	s18 =	smov.u32 s30  }
0x6c: {  	v1 =	vsub.s32 $0x1, v1;
	v7 =	vld [tilespmem:s18+$0x80];
	v0 =	vshll.u32 v4, $0x1;
	v3 =	vand.u32 $0x7FFFFFC, v3  }
0x6d: {  	v4 =	vshll.u32 v5, $0x1;
	v0 =	vadd.s32 $0x2, v0;
	v2 =	vsub.s32 v3, v2  }
0x6e: {  	v3 =	vld [tilespmem:s25+$0x1000];
	v5 =	vand.u32 $0x1FFFFC, v0;
	v2 =	vshll.u32 v2, $0x1;
	v0 =	vshra.s32 v1, $0x1  }
0x6f: {  	v1 =	vsub.s32 $0x2, v4;
	v4 =	vsub.s32 v5, v8;
	v5 =	vld [tilespmem:s26+$0x1380];
	v2 =	vadd.s32 $0x2, v2  }
0x70: {  	v1 =	vand.u32 $0x7FFC, v1;
	v8 =	vld [tilespmem:s18+$0x100];
	v4 =	vshll.u32 v4, $0x1;
	v2 =	vand.u32 $0xFFFFFFC, v2  }
0x71: {  	v1 =	vsub.s32 v1, v7;
	v4 =	vadd.s32 $0x2, v4;
	v2 =	vsub.s32 v2, v6  }
0x72: {  	v1 =	vshll.u32 v1, $0x1;
	v6 =	vld [tilespmem:s25+$0x1080];
	v4 =	vand.u32 $0x3FFFFC, v4;
	v2 =	vshll.u32 v2, $0x1  }
0x73: {  	v1 =	vadd.s32 $0x2, v1;
	v3 =	vsub.s32 v4, v3;
	v4 =	vld [tilespmem:s26+$0x2000];
	v2 =	vadd.s32 $0x2, v2  }
0x74: {  	v7 =	vld [tilespmem:s18+$0x180];
	v1 =	vand.u32 $0xFFFC, v1;
	v3 =	vshll.u32 v3, $0x1;
	v2 =	vand.u32 $0x1FFFFFFC, v2  }
0x75: {  	v1 =	vsub.s32 v1, v8;
	v3 =	vadd.s32 $0x2, v3;
	v2 =	vsub.s32 v2, v5  }
0x76: {  	v1 =	vshll.u32 v1, $0x1;
	v5 =	vld [tilespmem:s25+$0x1100];
	v3 =	vand.u32 $0x7FFFFC, v3;
	v2 =	vshll.u32 v2, $0x1  }
0x77: {  	v1 =	vadd.s32 $0x2, v1;
	v3 =	vsub.s32 v3, v6;
	v6 =	vld [tilespmem:s26+$0x2080];
	v2 =	vadd.s32 $0x2, v2  }
0x78: {  	v8 =	vld [tilespmem:s18+$0x200];
	v1 =	vand.u32 $0x1FFFC, v1;
	v3 =	vshll.u32 v3, $0x1;
	v2 =	vand.u32 $0x3FFFFFFC, v2  }
0x79: {  	v1 =	vsub.s32 v1, v7;
	v3 =	vadd.s32 $0x2, v3;
	v2 =	vsub.s32 v2, v4  }
0x7a: {  	v1 =	vshll.u32 v1, $0x1;
	v4 =	vld [tilespmem:s25+$0x1180];
	v3 =	vand.u32 $0xFFFFFC, v3;
	v2 =	vshll.u32 v2, $0x1  }
0x7b: {  	v1 =	vadd.s32 $0x2, v1;
	v3 =	vsub.s32 v3, v5;
	v5 =	vld [tilespmem:s26+$0x2100];
	v2 =	vadd.s32 $0x2, v2  }
0x7c: {  	v7 =	vld [tilespmem:s18+$0x280];
	v1 =	vand.u32 $0x3FFFC, v1;
	v3 =	vshll.u32 v3, $0x1;
	v2 =	vand.u32 $0x7FFFFFFC, v2  }
0x7d: {  	v1 =	vsub.s32 v1, v8;
	v8 =	vadd.s32 $0x2, v3;
	v2 =	vsub.s32 v2, v6  }
.Ltmp0:
0x7e: {  	v1 =	vshll.u32 v1, $0x1;
	v3 =	vld [tilespmem:s25+$0x1200];
	v6 =	vand.u32 $0x1FFFFFC, v8;
	v2 =	vshll.u32 v2, $0x1;
	(pc) =	sbr.rel @p0 .LBB2_2-.Ltmp0, $4  }
0x7f: {  	v8 =	vadd.s32 $0x2, v1;
	v6 =	vsub.s32 v6, v4;
	v1 =	vld [tilespmem:s25+$0x2180];
	v2 =	vadd.s32 $0x2, v2  }
0x80: {  	v4 =	vld [tilespmem:s18+$0x300];
	v8 =	vand.u32 $0x7FFFC, v8;
	v6 =	vshll.u32 v6, $0x1;
	v9 =	vand.u32 $0xFFFFFFFC, v2  }
0x81: {  	s30 =	sshra.s32 s3, $0x2;
	v7 =	vsub.s32 v8, v7;
	v2 =	vld [tilespmem:s25+$0x1280];
	v8 =	vadd.s32 $0x2, v6;
	v9 =	vsub.s32 v9, v5  }
0x82: {  	s3 =	sadd.s32 $0x40, s3;
	v5 =	vld [tilespmem:s30+$0x0];
	v6 =	vshll.u32 v7, $0x1;
	v7 =	vand.u32 $0x3FFFFFC, v8;
	v8 =	vadd.s32 $0x1, v9  }
0x83: {  	v8 =	vand.u32 $0xFFFFFFFE, v8  }
0x84: {  	v9 =	vld [tilespmem:s18+$0x380];
	v0 =	vadd.s32 v0, v8  }
0x85: {  	v40 =	vld [tilespmem:s25+$0x1300];
	v3 =	vsub.s32 v7, v3;
	[tilespmem:s26+$0x3000] =	vst v0  }
0x86: {  	v6 =	vadd.s32 $0x2, v6;
	v3 =	vshll.u32 v3, $0x1;
	v41 =	vld [tilespmem:s30+$0x80]  }
0x87: {  	v1 =	vsub.s32 $0x1, v1;
	v0 =	vand.u32 $0xFFFFC, v6;
	v3 =	vadd.s32 $0x2, v3  }
0x88: {  	v1 =	vshra.s32 v1, $0x1;
	v3 =	vand.u32 $0x7FFFFFC, v3;
	v42 =	vshll.u32 v5, $0x1  }
0x89: {  	v0 =	vsub.s32 v0, v4;
	v2 =	vsub.s32 v3, v2;
	v3 =	vsub.s32 $0x2, v42  }
0x8a: {  	v43 =	vld [tilespmem:s30+$0x100];
	v0 =	vshll.u32 v0, $0x1;
	v2 =	vshll.u32 v2, $0x1;
	v3 =	vand.u32 $0x7FFC, v3  }
0x8b: {  	v44 =	vld [tilespmem:s18+$0x1000];
	v0 =	vadd.s32 $0x2, v0;
	v2 =	vadd.s32 $0x2, v2;
	v3 =	vsub.s32 v3, v41  }
0x8c: {  	v45 =	vld [tilespmem:s25+$0x1380];
	v0 =	vand.u32 $0x1FFFFC, v0;
	v2 =	vand.u32 $0xFFFFFFC, v2;
	v3 =	vshll.u32 v3, $0x1  }
0x8d: {  	v0 =	vsub.s32 v0, v9;
	v2 =	vsub.s32 v2, v40;
	v3 =	vadd.s32 $0x2, v3  }
0x8e: {  	v46 =	vld [tilespmem:s30+$0x180];
	v0 =	vshll.u32 v0, $0x1;
	v2 =	vshll.u32 v2, $0x1;
	v3 =	vand.u32 $0xFFFC, v3  }
0x8f: {  	v47 =	vld [tilespmem:s18+$0x1080];
	v0 =	vadd.s32 $0x2, v0;
	v2 =	vadd.s32 $0x2, v2;
	v3 =	vsub.s32 v3, v43  }
0x90: {  	v48 =	vld [tilespmem:s25+$0x2000];
	v0 =	vand.u32 $0x3FFFFC, v0;
	v2 =	vand.u32 $0x1FFFFFFC, v2;
	v3 =	vshll.u32 v3, $0x1  }
0x91: {  	v0 =	vsub.s32 v0, v44;
	v2 =	vsub.s32 v2, v45;
	v3 =	vadd.s32 $0x2, v3  }
0x92: {  	v49 =	vld [tilespmem:s30+$0x200];
	v0 =	vshll.u32 v0, $0x1;
	v2 =	vshll.u32 v2, $0x1;
	v3 =	vand.u32 $0x1FFFC, v3  }
0x93: {  	v50 =	vld [tilespmem:s18+$0x1100];
	v0 =	vadd.s32 $0x2, v0;
	v2 =	vadd.s32 $0x2, v2;
	v3 =	vsub.s32 v3, v46  }
0x94: {  	v51 =	vld [tilespmem:s25+$0x2080];
	v0 =	vand.u32 $0x7FFFFC, v0;
	v2 =	vand.u32 $0x3FFFFFFC, v2;
	v3 =	vshll.u32 v3, $0x1  }
0x95: {  	v0 =	vsub.s32 v0, v47;
	v2 =	vsub.s32 v2, v48;
	v3 =	vadd.s32 $0x2, v3  }
0x96: {  	v52 =	vld [tilespmem:s30+$0x280];
	v0 =	vshll.u32 v0, $0x1;
	v2 =	vshll.u32 v2, $0x1;
	v3 =	vand.u32 $0x3FFFC, v3  }
0x97: {  	v53 =	vld [tilespmem:s18+$0x1180];
	v0 =	vadd.s32 $0x2, v0;
	v2 =	vadd.s32 $0x2, v2;
	v3 =	vsub.s32 v3, v49  }
0x98: {  	v54 =	vld [tilespmem:s25+$0x2100];
	v0 =	vand.u32 $0xFFFFFC, v0;
	v2 =	vand.u32 $0x7FFFFFFC, v2;
	v3 =	vshll.u32 v3, $0x1  }
0x99: {  	v0 =	vsub.s32 v0, v50;
	v2 =	vsub.s32 v2, v51;
	v3 =	vadd.s32 $0x2, v3  }
0x9a: {  	v55 =	vld [tilespmem:s30+$0x300];
	v0 =	vshll.u32 v0, $0x1;
	v2 =	vshll.u32 v2, $0x1;
	v3 =	vand.u32 $0x7FFFC, v3  }
0x9b: {  	v0 =	vadd.s32 $0x2, v0;
	v2 =	vadd.s32 $0x2, v2;
	v3 =	vsub.s32 v3, v52  }
0x9c: {  	v56 =	vld [tilespmem:s18+$0x1200];
	v0 =	vand.u32 $0x1FFFFFC, v0;
	v2 =	vand.u32 $0xFFFFFFFC, v2;
	v3 =	vshll.u32 v3, $0x1  }
0x9d: {  	v0 =	vsub.s32 v0, v53;
	v2 =	vsub.s32 v2, v54;
	v3 =	vadd.s32 $0x2, v3  }
0x9e: {  	v58 =	vld [tilespmem:s30+$0x380];
	v0 =	vshll.u32 v0, $0x1;
	v2 =	vadd.s32 $0x1, v2;
	v3 =	vand.u32 $0xFFFFC, v3  }
0x9f: {  	v57 =	vld [tilespmem:s18+$0x2180];
	v0 =	vadd.s32 $0x2, v0;
	v2 =	vand.u32 $0xFFFFFFFE, v2;
	v3 =	vsub.s32 v3, v55  }
0xa0: {  	v59 =	vld [tilespmem:s18+$0x1280];
	v0 =	vand.u32 $0x3FFFFFC, v0;
	v1 =	vadd.s32 v1, v2;
	v3 =	vshll.u32 v3, $0x1  }
0xa1: {  	v2 =	vld [tilespmem:s18+$0x1300];
	v0 =	vsub.s32 v0, v56;
	[tilespmem:s25+$0x3000] =	vst v1;
	v1 =	vadd.s32 $0x2, v3  }
0xa2: {  	v0 =	vshll.u32 v0, $0x1;
	v3 =	vld [tilespmem:s30+$0x1000];
	v1 =	vand.u32 $0x1FFFFC, v1  }
0xa3: {  	v0 =	vadd.s32 $0x2, v0;
	v1 =	vsub.s32 v1, v58  }
0xa4: {  	v0 =	vand.u32 $0x7FFFFFC, v0;
	v1 =	vshll.u32 v1, $0x1  }
0xa5: {  	v0 =	vsub.s32 v0, v59;
	v1 =	vadd.s32 $0x2, v1  }
0xa6: {  	v60 =	vld [tilespmem:s30+$0x1080];
	v0 =	vshll.u32 v0, $0x1;
	v1 =	vand.u32 $0x3FFFFC, v1  }
0xa7: {  	v0 =	vadd.s32 $0x2, v0;
	v1 =	vsub.s32 v1, v3  }
0xa8: {  	v0 =	vand.u32 $0xFFFFFFC, v0;
	v3 =	vld [tilespmem:s18+$0x1380];
	v1 =	vshll.u32 v1, $0x1  }
0xa9: {  	v0 =	vsub.s32 v0, v2;
	v1 =	vadd.s32 $0x2, v1  }
0xaa: {  	v2 =	vld [tilespmem:s30+$0x1100];
	v0 =	vshll.u32 v0, $0x1;
	v1 =	vand.u32 $0x7FFFFC, v1  }
0xab: {  	v0 =	vadd.s32 $0x2, v0;
	v1 =	vsub.s32 v1, v60  }
0xac: {  	v61 =	vld [tilespmem:s18+$0x2000];
	v0 =	vand.u32 $0x1FFFFFFC, v0;
	v1 =	vshll.u32 v1, $0x1  }
0xad: {  	v0 =	vsub.s32 v0, v3;
	v1 =	vadd.s32 $0x2, v1  }
0xae: {  	v3 =	vld [tilespmem:s30+$0x1180];
	v0 =	vshll.u32 v0, $0x1;
	v1 =	vand.u32 $0xFFFFFC, v1  }
0xaf: {  	v0 =	vadd.s32 $0x2, v0;
	v1 =	vsub.s32 v1, v2  }
0xb0: {  	v2 =	vld [tilespmem:s18+$0x2080];
	v0 =	vand.u32 $0x3FFFFFFC, v0;
	v1 =	vshll.u32 v1, $0x1  }
0xb1: {  	v0 =	vsub.s32 v0, v61;
	v1 =	vadd.s32 $0x2, v1  }
0xb2: {  	v62 =	vld [tilespmem:s30+$0x1200];
	v0 =	vshll.u32 v0, $0x1;
	v1 =	vand.u32 $0x1FFFFFC, v1  }
0xb3: {  	v0 =	vadd.s32 $0x2, v0;
	v1 =	vsub.s32 v1, v3  }
0xb4: {  	v3 =	vld [tilespmem:s18+$0x2100];
	v0 =	vand.u32 $0x7FFFFFFC, v0;
	v1 =	vshll.u32 v1, $0x1  }
0xb5: {  	v0 =	vsub.s32 v0, v2;
	v1 =	vadd.s32 $0x2, v1  }
0xb6: {  	v2 =	vld [tilespmem:s30+$0x1280];
	v0 =	vshll.u32 v0, $0x1;
	v1 =	vand.u32 $0x3FFFFFC, v1  }
0xb7: {  	v0 =	vadd.s32 $0x2, v0;
	v1 =	vsub.s32 v1, v62  }
0xb8: {  	v0 =	vand.u32 $0xFFFFFFFC, v0;
	v1 =	vshll.u32 v1, $0x1  }
0xb9: {  	v0 =	vsub.s32 v0, v3;
	v1 =	vadd.s32 $0x2, v1  }
0xba: {  	v63 =	vld [tilespmem:s30+$0x1300];
	v3 =	vsub.s32 $0x1, v57;
	v0 =	vadd.s32 $0x1, v0;
	v1 =	vand.u32 $0x7FFFFFC, v1  }
0xbb: {  	v3 =	vshra.s32 v3, $0x1;
	v0 =	vand.u32 $0xFFFFFFFE, v0;
	v1 =	vsub.s32 v1, v2  }
0xbc: {  	v0 =	vadd.s32 v3, v0;
	v1 =	vshll.u32 v1, $0x1  }
0xbd: {  	v2 =	vld [tilespmem:s30+$0x2180];
	[tilespmem:s18+$0x3000] =	vst v0;
	v0 =	vadd.s32 $0x2, v1  }
0xbe: {  	v1 =	vld [tilespmem:s30+$0x1380];
	v0 =	vand.u32 $0xFFFFFFC, v0  }
0xbf: {  	v0 =	vsub.s32 v0, v63  }
0xc0: {  	v0 =	vshll.u32 v0, $0x1  }
0xc1: {  	v0 =	vadd.s32 $0x2, v0  }
0xc2: {  	v3 =	vld [tilespmem:s30+$0x2000];
	v0 =	vand.u32 $0x1FFFFFFC, v0  }
0xc3: {  	v0 =	vsub.s32 v0, v1  }
0xc4: {  	v0 =	vshll.u32 v0, $0x1  }
0xc5: {  	v0 =	vadd.s32 $0x2, v0  }
0xc6: {  	v1 =	vld [tilespmem:s30+$0x2080];
	v0 =	vand.u32 $0x3FFFFFFC, v0  }
0xc7: {  	v0 =	vsub.s32 v0, v3  }
0xc8: {  	v0 =	vshll.u32 v0, $0x1  }
0xc9: {  	v0 =	vadd.s32 $0x2, v0  }
0xca: {  	v3 =	vld [tilespmem:s30+$0x2100];
	v0 =	vand.u32 $0x7FFFFFFC, v0  }
0xcb: {  	v0 =	vsub.s32 v0, v1  }
0xcc: {  	v0 =	vshll.u32 v0, $0x1  }
0xcd: {  	v0 =	vadd.s32 $0x2, v0  }
0xce: {  	v0 =	vand.u32 $0xFFFFFFFC, v0  }
0xcf: {  	v0 =	vsub.s32 v0, v3  }
0xd0: {  	s3 =	simm.s32 $0x1000;
	v1 =	vsub.s32 $0x1, v2;
	v0 =	vadd.s32 $0x1, v0  }
0xd1: {  	s14 =	sand.u32 $0xFFFFF000, s3;
	v1 =	vshra.s32 v1, $0x1;
	v0 =	vand.u32 $0xFFFFFFFE, v0  }
0xd2: {  	s31 =	sadd.s32 $0x0, s14;
	v0 =	vadd.s32 v1, v0  }
0xd3: {  	s18 =	sadd.s32 $0x8600, s31;
	[tilespmem:s30+$0x3000] =	vst v0  }
0xd4: {  	[tilespmem:s22], [sflag:$0x1] =	stream.indirect.gather [hbm4b:s1+s20], $0x1, s21, s20, $0xb8;
	[tilespmem:$0x3600] =	vst v63  }
0xd5: {  	s3 =	sshra.s32 s18, $0x2  }
0xd6: {  	[tilespmem:s23], [sflag:$0x2] =	stream.indirect.gather [hbm4b:s2+s20], $0x1, s21, s20, $0xb8;
	[tilespmem:$0x3600] =	vst v63  }
0xd7: {  	v0 =	vld [tilespmem:s3+$0xFFFFDE80]  }
0xd8: {  	s14 =	sshrl.u32 s14, $0x2  }
0xd9: {  	s26 =	sadd.s32 $0x0, s14  }
0xda: {  	v1 =	vld [tilespmem:s26+$0x80];
	_ =	sdelay $0x1  }
0xdb: {  	v0 =	vshll.u32 v0, $0x1  }
0xdc: {  	v0 =	vsub.s32 $0x2, v0  }
0xdd: {  	v2 =	vld [tilespmem:s26+$0x100];
	v0 =	vand.u32 $0x7FFC, v0  }
0xde: {  	v0 =	vsub.s32 v0, v1  }
0xdf: {  	v0 =	vshll.u32 v0, $0x1  }
0xe0: {  	v0 =	vadd.s32 $0x2, v0  }
0xe1: {  	v1 =	vld [tilespmem:s26+$0x180];
	v0 =	vand.u32 $0xFFFC, v0  }
0xe2: {  	v0 =	vsub.s32 v0, v2  }
0xe3: {  	v0 =	vshll.u32 v0, $0x1  }
0xe4: {  	v0 =	vadd.s32 $0x2, v0  }
0xe5: {  	v2 =	vld [tilespmem:s26+$0x200];
	v0 =	vand.u32 $0x1FFFC, v0  }
0xe6: {  	v0 =	vsub.s32 v0, v1  }
0xe7: {  	v0 =	vshll.u32 v0, $0x1  }
0xe8: {  	v0 =	vadd.s32 $0x2, v0  }
0xe9: {  	v1 =	vld [tilespmem:s26+$0x280];
	v0 =	vand.u32 $0x3FFFC, v0  }
0xea: {  	v0 =	vsub.s32 v0, v2  }
0xeb: {  	v0 =	vshll.u32 v0, $0x1  }
0xec: {  	v0 =	vadd.s32 $0x2, v0  }
0xed: {  	v2 =	vld [tilespmem:s26+$0x300];
	v0 =	vand.u32 $0x7FFFC, v0  }
0xee: {  	v0 =	vsub.s32 v0, v1  }
0xef: {  	v0 =	vshll.u32 v0, $0x1  }
0xf0: {  	v0 =	vadd.s32 $0x2, v0  }
0xf1: {  	v1 =	vld [tilespmem:s26+$0x380];
	v0 =	vand.u32 $0xFFFFC, v0  }
0xf2: {  	v0 =	vsub.s32 v0, v2  }
0xf3: {  	v0 =	vshll.u32 v0, $0x1  }
0xf4: {  	v0 =	vadd.s32 $0x2, v0  }
0xf5: {  	v2 =	vld [tilespmem:s26+$0x1000];
	v0 =	vand.u32 $0x1FFFFC, v0  }
0xf6: {  	v0 =	vsub.s32 v0, v1  }
0xf7: {  	s31 =	sadd.s32 $0x4400, s31;
	v0 =	vshll.u32 v0, $0x1  }
0xf8: {  	s14 =	sshra.s32 s31, $0x2;
	v0 =	vadd.s32 $0x2, v0  }
0xf9: {  	v1 =	vld [tilespmem:s14+$0xFFFFFF80];
	v0 =	vand.u32 $0x3FFFFC, v0  }
0xfa: {  	v0 =	vsub.s32 v0, v2  }
0xfb: {  	v0 =	vshll.u32 v0, $0x1  }
0xfc: {  	v0 =	vadd.s32 $0x2, v0  }
0xfd: {  	v2 =	vld [tilespmem:s14+$0x0];
	v0 =	vand.u32 $0x7FFFFC, v0  }
0xfe: {  	v0 =	vsub.s32 v0, v1  }
0xff: {  	v0 =	vshll.u32 v0, $0x1  }
0x100: {  	v0 =	vadd.s32 $0x2, v0  }
0x101: {  	v1 =	vld [tilespmem:s26+$0x1180];
	v0 =	vand.u32 $0xFFFFFC, v0  }
0x102: {  	v0 =	vsub.s32 v0, v2  }
0x103: {  	v0 =	vshll.u32 v0, $0x1  }
0x104: {  	v0 =	vadd.s32 $0x2, v0  }
0x105: {  	v2 =	vld [tilespmem:s26+$0x1200];
	v0 =	vand.u32 $0x1FFFFFC, v0  }
0x106: {  	v0 =	vsub.s32 v0, v1  }
0x107: {  	v0 =	vshll.u32 v0, $0x1  }
0x108: {  	v0 =	vadd.s32 $0x2, v0  }
0x109: {  	v1 =	vld [tilespmem:s26+$0x1280];
	v0 =	vand.u32 $0x3FFFFFC, v0  }
0x10a: {  	v0 =	vsub.s32 v0, v2  }
0x10b: {  	v0 =	vshll.u32 v0, $0x1  }
0x10c: {  	v0 =	vadd.s32 $0x2, v0  }
0x10d: {  	v2 =	vld [tilespmem:s26+$0x1300];
	v0 =	vand.u32 $0x7FFFFFC, v0  }
0x10e: {  	v0 =	vsub.s32 v0, v1  }
0x10f: {  	v0 =	vshll.u32 v0, $0x1  }
0x110: {  	v0 =	vadd.s32 $0x2, v0  }
0x111: {  	v1 =	vld [tilespmem:s26+$0x1380];
	v0 =	vand.u32 $0xFFFFFFC, v0  }
0x112: {  	v0 =	vsub.s32 v0, v2  }
0x113: {  	v0 =	vshll.u32 v0, $0x1  }
0x114: {  	v0 =	vadd.s32 $0x2, v0  }
0x115: {  	v2 =	vld [tilespmem:s26+$0x2000];
	v0 =	vand.u32 $0x1FFFFFFC, v0  }
0x116: {  	v0 =	vsub.s32 v0, v1  }
0x117: {  	v0 =	vshll.u32 v0, $0x1  }
0x118: {  	v0 =	vadd.s32 $0x2, v0  }
0x119: {  	v1 =	vld [tilespmem:s26+$0x2080];
	v0 =	vand.u32 $0x3FFFFFFC, v0  }
0x11a: {  	v0 =	vsub.s32 v0, v2  }
0x11b: {  	v0 =	vshll.u32 v0, $0x1  }
0x11c: {  	v0 =	vadd.s32 $0x2, v0  }
0x11d: {  	v0 =	vand.u32 $0x7FFFFFFC, v0  }
0x11e: {  	v0 =	vsub.s32 v0, v1  }
0x11f: {  	v0 =	vshll.u32 v0, $0x1  }
0x120: {  	v2 =	vld [tilespmem:s26+$0x2100];
	v0 =	vadd.s32 $0x2, v0  }
0x121: {  	v1 =	vand.u32 $0xFFFFFFFC, v0;
	v0 =	vld [tilespmem:s3+$0x0];
	_ =	sdelay $0x2  }
0x122: {  	s25 =	simm.s32 $0x0;
	s18 =	simm.s32 $0x40  }
0x123: {  	s30 =	simm.s32 $0x80;
	s26 =	simm.s32 $0x480;
	s3 =	simm.s32 $0x1200;
	v1 =	vsub.s32 v1, v2  }
.LBB2_4:
0x124: {  	p0 =	sne.s32 s30, $0x1C0;
	s3 =	sand.u32 $0xFFFFF000, s3;
	v1 =	vadd.s32 $0x1, v1;
	v0 =	vsub.s32 $0x1, v0  }
0x125: {  	s14 =	sadd.s32 s18, s3;
	v1 =	vand.u32 $0xFFFFFFFE, v1;
	v0 =	vshra.s32 v0, $0x1  }
0x126: {  	s31 =	sadd.s32 $0x8600, s14;
	v0 =	vadd.s32 v0, v1  }
0x127: {  	s31 =	sshra.s32 s31, $0x2;
	[tilespmem:s25+$0x3080] =	vst v0  }
0x128: {  	v0 =	vld [tilespmem:s31+$0xFFFFDE80]  }
0x129: {  	s3 =	sshrl.u32 s3, $0x2;
	s25 =	sshra.s32 s18, $0x2;
	s18 =	smov.u32 s30  }
0x12a: {  	s3 =	sadd.s32 s25, s3  }
0x12b: {  	v1 =	vld [tilespmem:s3+$0x80];
	_ =	sdelay $0x1  }
0x12c: {  	v0 =	vshll.u32 v0, $0x1  }
0x12d: {  	v0 =	vsub.s32 $0x2, v0  }
0x12e: {  	v2 =	vld [tilespmem:s3+$0x100];
	v0 =	vand.u32 $0x7FFC, v0  }
0x12f: {  	v0 =	vsub.s32 v0, v1  }
0x130: {  	v0 =	vshll.u32 v0, $0x1  }
0x131: {  	v0 =	vadd.s32 $0x2, v0  }
0x132: {  	v1 =	vld [tilespmem:s3+$0x180];
	v0 =	vand.u32 $0xFFFC, v0  }
0x133: {  	v0 =	vsub.s32 v0, v2  }
0x134: {  	v0 =	vshll.u32 v0, $0x1  }
0x135: {  	v0 =	vadd.s32 $0x2, v0  }
0x136: {  	v2 =	vld [tilespmem:s3+$0x200];
	v0 =	vand.u32 $0x1FFFC, v0  }
0x137: {  	v0 =	vsub.s32 v0, v1  }
0x138: {  	v0 =	vshll.u32 v0, $0x1  }
0x139: {  	v0 =	vadd.s32 $0x2, v0  }
0x13a: {  	v1 =	vld [tilespmem:s3+$0x280];
	v0 =	vand.u32 $0x3FFFC, v0  }
0x13b: {  	v0 =	vsub.s32 v0, v2  }
0x13c: {  	v0 =	vshll.u32 v0, $0x1  }
0x13d: {  	v0 =	vadd.s32 $0x2, v0  }
0x13e: {  	v2 =	vld [tilespmem:s3+$0x300];
	v0 =	vand.u32 $0x7FFFC, v0  }
0x13f: {  	v0 =	vsub.s32 v0, v1  }
0x140: {  	v0 =	vshll.u32 v0, $0x1  }
0x141: {  	v0 =	vadd.s32 $0x2, v0  }
0x142: {  	v1 =	vld [tilespmem:s3+$0x380];
	v0 =	vand.u32 $0xFFFFC, v0  }
0x143: {  	v0 =	vsub.s32 v0, v2  }
0x144: {  	v0 =	vshll.u32 v0, $0x1  }
0x145: {  	v0 =	vadd.s32 $0x2, v0  }
0x146: {  	v2 =	vld [tilespmem:s3+$0x1000];
	v0 =	vand.u32 $0x1FFFFC, v0  }
0x147: {  	v0 =	vsub.s32 v0, v1  }
0x148: {  	s14 =	sadd.s32 $0x4400, s14;
	v0 =	vshll.u32 v0, $0x1  }
0x149: {  	s14 =	sshra.s32 s14, $0x2;
	v0 =	vadd.s32 $0x2, v0  }
0x14a: {  	v1 =	vld [tilespmem:s14+$0xFFFFFF80];
	v0 =	vand.u32 $0x3FFFFC, v0  }
0x14b: {  	v0 =	vsub.s32 v0, v2  }
0x14c: {  	v0 =	vshll.u32 v0, $0x1  }
0x14d: {  	v0 =	vadd.s32 $0x2, v0  }
0x14e: {  	v2 =	vld [tilespmem:s14+$0x0];
	v0 =	vand.u32 $0x7FFFFC, v0  }
0x14f: {  	v0 =	vsub.s32 v0, v1  }
0x150: {  	v0 =	vshll.u32 v0, $0x1  }
0x151: {  	v0 =	vadd.s32 $0x2, v0  }
0x152: {  	v1 =	vld [tilespmem:s3+$0x1180];
	v0 =	vand.u32 $0xFFFFFC, v0  }
0x153: {  	v0 =	vsub.s32 v0, v2  }
0x154: {  	v0 =	vshll.u32 v0, $0x1  }
0x155: {  	v0 =	vadd.s32 $0x2, v0  }
0x156: {  	v2 =	vld [tilespmem:s3+$0x1200];
	v0 =	vand.u32 $0x1FFFFFC, v0  }
0x157: {  	v0 =	vsub.s32 v0, v1  }
0x158: {  	v0 =	vshll.u32 v0, $0x1  }
0x159: {  	v0 =	vadd.s32 $0x2, v0  }
0x15a: {  	v1 =	vld [tilespmem:s3+$0x1280];
	v0 =	vand.u32 $0x3FFFFFC, v0  }
0x15b: {  	v0 =	vsub.s32 v0, v2  }
0x15c: {  	v0 =	vshll.u32 v0, $0x1  }
0x15d: {  	v0 =	vadd.s32 $0x2, v0  }
0x15e: {  	v2 =	vld [tilespmem:s3+$0x1300];
	v0 =	vand.u32 $0x7FFFFFC, v0  }
0x15f: {  	v0 =	vsub.s32 v0, v1  }
0x160: {  	v0 =	vshll.u32 v0, $0x1  }
0x161: {  	v0 =	vadd.s32 $0x2, v0  }
0x162: {  	v1 =	vld [tilespmem:s3+$0x1380];
	v0 =	vand.u32 $0xFFFFFFC, v0  }
0x163: {  	v0 =	vsub.s32 v0, v2  }
0x164: {  	v0 =	vshll.u32 v0, $0x1  }
0x165: {  	v0 =	vadd.s32 $0x2, v0  }
0x166: {  	v2 =	vld [tilespmem:s3+$0x2000];
	v0 =	vand.u32 $0x1FFFFFFC, v0  }
0x167: {  	v0 =	vsub.s32 v0, v1  }
0x168: {  	v0 =	vshll.u32 v0, $0x1  }
0x169: {  	v0 =	vadd.s32 $0x2, v0  }
0x16a: {  	v1 =	vld [tilespmem:s3+$0x2080];
	v0 =	vand.u32 $0x3FFFFFFC, v0  }
0x16b: {  	v0 =	vsub.s32 v0, v2  }
0x16c: {  	v0 =	vshll.u32 v0, $0x1  }
0x16d: {  	v0 =	vadd.s32 $0x2, v0  }
0x16e: {  	v2 =	vld [tilespmem:s3+$0x2100];
	v0 =	vand.u32 $0x7FFFFFFC, v0  }
.Ltmp1:
0x16f: {  	v1 =	vsub.s32 v0, v1;
	v0 =	vld [tilespmem:s31+$0x0];
	(pc) =	sbr.rel @p0 .LBB2_4-.Ltmp1, $4  }
0x170: {  	v1 =	vshll.u32 v1, $0x1  }
0x171: {  	v1 =	vadd.s32 $0x2, v1  }
0x172: {  	s26 =	sadd.s32 $0x80, s26;
	v1 =	vand.u32 $0xFFFFFFFC, v1  }
0x173: {  	s30 =	sadd.s32 $0x40, s30;
	s3 =	sshll.u32 s26, $0x2;
	v1 =	vsub.s32 v1, v2  }
0x174: {  	s14 =	sand.u32 $0xFFFFF000, s3;
	v1 =	vadd.s32 $0x1, v1;
	v0 =	vsub.s32 $0x1, v0  }
0x175: {  	s30 =	sadd.s32 s18, s14;
	v1 =	vand.u32 $0xFFFFFFFE, v1;
	v0 =	vshra.s32 v0, $0x1  }
0x176: {  	s31 =	sadd.s32 $0x8600, s30;
	v0 =	vadd.s32 v0, v1  }
0x177: {  	s26 =	sshra.s32 s31, $0x2;
	[tilespmem:s25+$0x3080] =	vst v0  }
0x178: {  	v0 =	vld [tilespmem:s26+$0xFFFFDE80]  }
0x179: {  	s14 =	sshrl.u32 s14, $0x2;
	s25 =	sshra.s32 s18, $0x2  }
0x17a: {  	s18 =	sadd.s32 s25, s14  }
0x17b: {  	v1 =	vld [tilespmem:s18+$0x80];
	_ =	sdelay $0x1  }
0x17c: {  	v0 =	vshll.u32 v0, $0x1  }
0x17d: {  	v0 =	vsub.s32 $0x2, v0  }
0x17e: {  	v2 =	vld [tilespmem:s18+$0x100];
	v0 =	vand.u32 $0x7FFC, v0  }
0x17f: {  	v0 =	vsub.s32 v0, v1  }
0x180: {  	v0 =	vshll.u32 v0, $0x1  }
0x181: {  	v0 =	vadd.s32 $0x2, v0  }
0x182: {  	v1 =	vld [tilespmem:s18+$0x180];
	v0 =	vand.u32 $0xFFFC, v0  }
0x183: {  	v0 =	vsub.s32 v0, v2  }
0x184: {  	v0 =	vshll.u32 v0, $0x1  }
0x185: {  	v0 =	vadd.s32 $0x2, v0  }
0x186: {  	v2 =	vld [tilespmem:s18+$0x200];
	v0 =	vand.u32 $0x1FFFC, v0  }
0x187: {  	v0 =	vsub.s32 v0, v1  }
0x188: {  	v0 =	vshll.u32 v0, $0x1  }
0x189: {  	v0 =	vadd.s32 $0x2, v0  }
0x18a: {  	v1 =	vld [tilespmem:s18+$0x280];
	v0 =	vand.u32 $0x3FFFC, v0  }
0x18b: {  	v0 =	vsub.s32 v0, v2  }
0x18c: {  	v0 =	vshll.u32 v0, $0x1  }
0x18d: {  	v0 =	vadd.s32 $0x2, v0  }
0x18e: {  	v2 =	vld [tilespmem:s18+$0x300];
	v0 =	vand.u32 $0x7FFFC, v0  }
0x18f: {  	v0 =	vsub.s32 v0, v1  }
0x190: {  	v0 =	vshll.u32 v0, $0x1  }
0x191: {  	v0 =	vadd.s32 $0x2, v0  }
0x192: {  	v1 =	vld [tilespmem:s18+$0x380];
	v0 =	vand.u32 $0xFFFFC, v0  }
0x193: {  	v0 =	vsub.s32 v0, v2  }
0x194: {  	v0 =	vshll.u32 v0, $0x1  }
0x195: {  	v0 =	vadd.s32 $0x2, v0  }
0x196: {  	v2 =	vld [tilespmem:s18+$0x1000];
	v0 =	vand.u32 $0x1FFFFC, v0  }
0x197: {  	v0 =	vsub.s32 v0, v1  }
0x198: {  	s31 =	sadd.s32 $0x4400, s30;
	v0 =	vshll.u32 v0, $0x1  }
0x199: {  	s14 =	sshra.s32 s31, $0x2;
	v0 =	vadd.s32 $0x2, v0  }
0x19a: {  	v1 =	vld [tilespmem:s14+$0xFFFFFF80];
	v0 =	vand.u32 $0x3FFFFC, v0  }
0x19b: {  	v0 =	vsub.s32 v0, v2  }
0x19c: {  	v0 =	vshll.u32 v0, $0x1  }
0x19d: {  	v0 =	vadd.s32 $0x2, v0  }
0x19e: {  	v2 =	vld [tilespmem:s14+$0x0];
	v0 =	vand.u32 $0x7FFFFC, v0  }
0x19f: {  	v0 =	vsub.s32 v0, v1  }
0x1a0: {  	v0 =	vshll.u32 v0, $0x1  }
0x1a1: {  	v0 =	vadd.s32 $0x2, v0  }
0x1a2: {  	v1 =	vld [tilespmem:s18+$0x1180];
	v0 =	vand.u32 $0xFFFFFC, v0  }
0x1a3: {  	v0 =	vsub.s32 v0, v2  }
0x1a4: {  	v0 =	vshll.u32 v0, $0x1  }
0x1a5: {  	v0 =	vadd.s32 $0x2, v0  }
0x1a6: {  	v2 =	vld [tilespmem:s18+$0x1200];
	v0 =	vand.u32 $0x1FFFFFC, v0  }
0x1a7: {  	v0 =	vsub.s32 v0, v1  }
0x1a8: {  	v0 =	vshll.u32 v0, $0x1  }
0x1a9: {  	v0 =	vadd.s32 $0x2, v0  }
0x1aa: {  	v1 =	vld [tilespmem:s18+$0x1280];
	v0 =	vand.u32 $0x3FFFFFC, v0  }
0x1ab: {  	v0 =	vsub.s32 v0, v2  }
0x1ac: {  	v0 =	vshll.u32 v0, $0x1  }
0x1ad: {  	v0 =	vadd.s32 $0x2, v0  }
0x1ae: {  	v2 =	vld [tilespmem:s18+$0x1300];
	v0 =	vand.u32 $0x7FFFFFC, v0  }
0x1af: {  	v0 =	vsub.s32 v0, v1  }
0x1b0: {  	v0 =	vshll.u32 v0, $0x1  }
0x1b1: {  	v0 =	vadd.s32 $0x2, v0  }
0x1b2: {  	v1 =	vld [tilespmem:s18+$0x1380];
	v0 =	vand.u32 $0xFFFFFFC, v0  }
0x1b3: {  	v0 =	vsub.s32 v0, v2  }
0x1b4: {  	v0 =	vshll.u32 v0, $0x1  }
0x1b5: {  	v0 =	vadd.s32 $0x2, v0  }
0x1b6: {  	v2 =	vld [tilespmem:s18+$0x2000];
	v0 =	vand.u32 $0x1FFFFFFC, v0  }
0x1b7: {  	v0 =	vsub.s32 v0, v1  }
0x1b8: {  	v0 =	vshll.u32 v0, $0x1  }
0x1b9: {  	v0 =	vadd.s32 $0x2, v0  }
0x1ba: {  	v1 =	vld [tilespmem:s18+$0x2080];
	v0 =	vand.u32 $0x3FFFFFFC, v0  }
0x1bb: {  	v0 =	vsub.s32 v0, v2  }
0x1bc: {  	v0 =	vshll.u32 v0, $0x1  }
0x1bd: {  	v0 =	vadd.s32 $0x2, v0  }
0x1be: {  	v2 =	vld [tilespmem:s18+$0x2100];
	v0 =	vand.u32 $0x7FFFFFFC, v0  }
0x1bf: {  	v0 =	vsub.s32 v0, v1;
	v1 =	vld [tilespmem:s26+$0x0]  }
0x1c0: {  	v0 =	vshll.u32 v0, $0x1  }
0x1c1: {  	v0 =	vadd.s32 $0x2, v0  }
0x1c2: {  	v0 =	vand.u32 $0xFFFFFFFC, v0  }
0x1c3: {  	v0 =	vsub.s32 v0, v2  }
0x1c4: {  	v0 =	vadd.s32 $0x1, v0;
	v1 =	vsub.s32 $0x1, v1  }
0x1c5: {  	v0 =	vand.u32 $0xFFFFFFFE, v0;
	v1 =	vshra.s32 v1, $0x1  }
0x1c6: {  	v0 =	vadd.s32 v1, v0  }
0x1c7: {  	s14 =	simm.s32 $0x3280;
	[tilespmem:s25+$0x3080] =	vst v0;
	s25 =	simm.s32 $0x2000  }
0x1c8: {  	[tilespmem:s14], [sflag:$0x1] =	stream.indirect.gather [hbm4b:s1+s20], $0x1, s24, s20, $0xb8;
	[tilespmem:$0x3600] =	vst v63  }
0x1c9: {  	s18 =	simm.s32 $0x3480;
	s26 =	sand.u32 $0xFFFFF000, s25  }
0x1ca: {  	[tilespmem:s18], [sflag:$0x2] =	stream.indirect.gather [hbm4b:s2+s20], $0x1, s24, s20, $0xb8;
	[tilespmem:$0x3600] =	vst v63  }
0x1cb: {  	s31 =	sadd.s32 $0x0, s26;
	_ =	swait.ge [sflag:s28], $0x1800  }
0x1cc: {  	s18 =	sadd.s32 $0x8600, s31;
	[sflag:s28] =	ssyncset.done $0x0  }
0x1cd: {  	s3 =	sshra.s32 s18, $0x2;
	[sflag:s28] =	ssyncadd.s32 $0xFFFFE800  }
0x1ce: {  	v0 =	vld [tilespmem:s3+$0xFFFFDE80]  }
0x1cf: {  	s14 =	sshrl.u32 s26, $0x2  }
0x1d0: {  	s26 =	sadd.s32 $0x0, s14  }
0x1d1: {  	v1 =	vld [tilespmem:s26+$0x80];
	_ =	sdelay $0x1  }
0x1d2: {  	v0 =	vshll.u32 v0, $0x1  }
0x1d3: {  	v0 =	vsub.s32 $0x2, v0  }
0x1d4: {  	v2 =	vld [tilespmem:s26+$0x100];
	v0 =	vand.u32 $0x7FFC, v0  }
0x1d5: {  	v0 =	vsub.s32 v0, v1  }
0x1d6: {  	v0 =	vshll.u32 v0, $0x1  }
0x1d7: {  	v0 =	vadd.s32 $0x2, v0  }
0x1d8: {  	v1 =	vld [tilespmem:s26+$0x180];
	v0 =	vand.u32 $0xFFFC, v0  }
0x1d9: {  	v0 =	vsub.s32 v0, v2  }
0x1da: {  	v0 =	vshll.u32 v0, $0x1  }
0x1db: {  	v0 =	vadd.s32 $0x2, v0  }
0x1dc: {  	v2 =	vld [tilespmem:s26+$0x200];
	v0 =	vand.u32 $0x1FFFC, v0  }
0x1dd: {  	v0 =	vsub.s32 v0, v1  }
0x1de: {  	v0 =	vshll.u32 v0, $0x1  }
0x1df: {  	v0 =	vadd.s32 $0x2, v0  }
0x1e0: {  	v1 =	vld [tilespmem:s26+$0x280];
	v0 =	vand.u32 $0x3FFFC, v0  }
0x1e1: {  	v0 =	vsub.s32 v0, v2  }
0x1e2: {  	v0 =	vshll.u32 v0, $0x1  }
0x1e3: {  	v0 =	vadd.s32 $0x2, v0  }
0x1e4: {  	v2 =	vld [tilespmem:s26+$0x300];
	v0 =	vand.u32 $0x7FFFC, v0  }
0x1e5: {  	v0 =	vsub.s32 v0, v1  }
0x1e6: {  	v0 =	vshll.u32 v0, $0x1  }
0x1e7: {  	v0 =	vadd.s32 $0x2, v0  }
0x1e8: {  	v1 =	vld [tilespmem:s26+$0x380];
	v0 =	vand.u32 $0xFFFFC, v0  }
0x1e9: {  	v0 =	vsub.s32 v0, v2  }
0x1ea: {  	v0 =	vshll.u32 v0, $0x1  }
0x1eb: {  	v0 =	vadd.s32 $0x2, v0  }
0x1ec: {  	v2 =	vld [tilespmem:s26+$0x1000];
	v0 =	vand.u32 $0x1FFFFC, v0  }
0x1ed: {  	v0 =	vsub.s32 v0, v1  }
0x1ee: {  	s31 =	sadd.s32 $0x4400, s31;
	v0 =	vshll.u32 v0, $0x1  }
0x1ef: {  	s14 =	sshra.s32 s31, $0x2;
	v0 =	vadd.s32 $0x2, v0  }
0x1f0: {  	v1 =	vld [tilespmem:s14+$0xFFFFFF80];
	v0 =	vand.u32 $0x3FFFFC, v0  }
0x1f1: {  	v0 =	vsub.s32 v0, v2  }
0x1f2: {  	v0 =	vshll.u32 v0, $0x1  }
0x1f3: {  	v0 =	vadd.s32 $0x2, v0  }
0x1f4: {  	v2 =	vld [tilespmem:s14+$0x0];
	v0 =	vand.u32 $0x7FFFFC, v0  }
0x1f5: {  	v0 =	vsub.s32 v0, v1  }
0x1f6: {  	v0 =	vshll.u32 v0, $0x1  }
0x1f7: {  	v0 =	vadd.s32 $0x2, v0  }
0x1f8: {  	v1 =	vld [tilespmem:s26+$0x1180];
	v0 =	vand.u32 $0xFFFFFC, v0  }
0x1f9: {  	v0 =	vsub.s32 v0, v2  }
0x1fa: {  	v0 =	vshll.u32 v0, $0x1  }
0x1fb: {  	v0 =	vadd.s32 $0x2, v0  }
0x1fc: {  	v2 =	vld [tilespmem:s26+$0x1200];
	v0 =	vand.u32 $0x1FFFFFC, v0  }
0x1fd: {  	v0 =	vsub.s32 v0, v1  }
0x1fe: {  	v0 =	vshll.u32 v0, $0x1  }
0x1ff: {  	v0 =	vadd.s32 $0x2, v0  }
0x200: {  	v1 =	vld [tilespmem:s26+$0x1280];
	v0 =	vand.u32 $0x3FFFFFC, v0  }
0x201: {  	v0 =	vsub.s32 v0, v2  }
0x202: {  	v0 =	vshll.u32 v0, $0x1  }
0x203: {  	v0 =	vadd.s32 $0x2, v0  }
0x204: {  	v2 =	vld [tilespmem:s26+$0x1300];
	v0 =	vand.u32 $0x7FFFFFC, v0  }
0x205: {  	v0 =	vsub.s32 v0, v1  }
0x206: {  	v0 =	vshll.u32 v0, $0x1  }
0x207: {  	v0 =	vadd.s32 $0x2, v0  }
0x208: {  	v1 =	vld [tilespmem:s26+$0x1380];
	v0 =	vand.u32 $0xFFFFFFC, v0  }
0x209: {  	v0 =	vsub.s32 v0, v2  }
0x20a: {  	v0 =	vshll.u32 v0, $0x1  }
0x20b: {  	v0 =	vadd.s32 $0x2, v0  }
0x20c: {  	v2 =	vld [tilespmem:s26+$0x2000];
	v0 =	vand.u32 $0x1FFFFFFC, v0  }
0x20d: {  	v0 =	vsub.s32 v0, v1  }
0x20e: {  	v0 =	vshll.u32 v0, $0x1  }
0x20f: {  	v0 =	vadd.s32 $0x2, v0  }
0x210: {  	v1 =	vld [tilespmem:s26+$0x2080];
	v0 =	vand.u32 $0x3FFFFFFC, v0  }
0x211: {  	v0 =	vsub.s32 v0, v2  }
0x212: {  	v0 =	vshll.u32 v0, $0x1  }
0x213: {  	v0 =	vadd.s32 $0x2, v0  }
0x214: {  	v0 =	vand.u32 $0x7FFFFFFC, v0  }
0x215: {  	v0 =	vsub.s32 v0, v1  }
0x216: {  	v0 =	vshll.u32 v0, $0x1  }
0x217: {  	v2 =	vld [tilespmem:s26+$0x2100];
	v0 =	vadd.s32 $0x2, v0  }
0x218: {  	v1 =	vand.u32 $0xFFFFFFFC, v0;
	v0 =	vld [tilespmem:s3+$0x0];
	_ =	sdelay $0x2  }
0x219: {  	s30 =	simm.s32 $0x80;
	s25 =	simm.s32 $0x0  }
0x21a: {  	s18 =	simm.s32 $0x40;
	s26 =	simm.s32 $0x880;
	s3 =	simm.s32 $0x2200;
	v1 =	vsub.s32 v1, v2  }
.LBB2_6:
0x21b: {  	p0 =	sne.s32 s30, $0x1C0;
	s3 =	sand.u32 $0xFFFFF000, s3;
	v1 =	vadd.s32 $0x1, v1;
	v0 =	vsub.s32 $0x1, v0  }
0x21c: {  	s14 =	sadd.s32 s18, s3;
	v1 =	vand.u32 $0xFFFFFFFE, v1;
	v0 =	vshra.s32 v0, $0x1  }
0x21d: {  	s31 =	sadd.s32 $0x8600, s14;
	v0 =	vadd.s32 v0, v1  }
0x21e: {  	s31 =	sshra.s32 s31, $0x2;
	[tilespmem:s25+$0x3100] =	vst v0  }
0x21f: {  	v0 =	vld [tilespmem:s31+$0xFFFFDE80]  }
0x220: {  	s3 =	sshrl.u32 s3, $0x2;
	s25 =	sshra.s32 s18, $0x2;
	s18 =	smov.u32 s30  }
0x221: {  	s3 =	sadd.s32 s25, s3  }
0x222: {  	v1 =	vld [tilespmem:s3+$0x80];
	_ =	sdelay $0x1  }
0x223: {  	v0 =	vshll.u32 v0, $0x1  }
0x224: {  	v0 =	vsub.s32 $0x2, v0  }
0x225: {  	v2 =	vld [tilespmem:s3+$0x100];
	v0 =	vand.u32 $0x7FFC, v0  }
0x226: {  	v0 =	vsub.s32 v0, v1  }
0x227: {  	v0 =	vshll.u32 v0, $0x1  }
0x228: {  	v0 =	vadd.s32 $0x2, v0  }
0x229: {  	v1 =	vld [tilespmem:s3+$0x180];
	v0 =	vand.u32 $0xFFFC, v0  }
0x22a: {  	v0 =	vsub.s32 v0, v2  }
0x22b: {  	v0 =	vshll.u32 v0, $0x1  }
0x22c: {  	v0 =	vadd.s32 $0x2, v0  }
0x22d: {  	v2 =	vld [tilespmem:s3+$0x200];
	v0 =	vand.u32 $0x1FFFC, v0  }
0x22e: {  	v0 =	vsub.s32 v0, v1  }
0x22f: {  	v0 =	vshll.u32 v0, $0x1  }
0x230: {  	v0 =	vadd.s32 $0x2, v0  }
0x231: {  	v1 =	vld [tilespmem:s3+$0x280];
	v0 =	vand.u32 $0x3FFFC, v0  }
0x232: {  	v0 =	vsub.s32 v0, v2  }
0x233: {  	v0 =	vshll.u32 v0, $0x1  }
0x234: {  	v0 =	vadd.s32 $0x2, v0  }
0x235: {  	v2 =	vld [tilespmem:s3+$0x300];
	v0 =	vand.u32 $0x7FFFC, v0  }
0x236: {  	v0 =	vsub.s32 v0, v1  }
0x237: {  	v0 =	vshll.u32 v0, $0x1  }
0x238: {  	v0 =	vadd.s32 $0x2, v0  }
0x239: {  	v1 =	vld [tilespmem:s3+$0x380];
	v0 =	vand.u32 $0xFFFFC, v0  }
0x23a: {  	v0 =	vsub.s32 v0, v2  }
0x23b: {  	v0 =	vshll.u32 v0, $0x1  }
0x23c: {  	v0 =	vadd.s32 $0x2, v0  }
0x23d: {  	v2 =	vld [tilespmem:s3+$0x1000];
	v0 =	vand.u32 $0x1FFFFC, v0  }
0x23e: {  	v0 =	vsub.s32 v0, v1  }
0x23f: {  	s14 =	sadd.s32 $0x4400, s14;
	v0 =	vshll.u32 v0, $0x1  }
0x240: {  	s14 =	sshra.s32 s14, $0x2;
	v0 =	vadd.s32 $0x2, v0  }
0x241: {  	v1 =	vld [tilespmem:s14+$0xFFFFFF80];
	v0 =	vand.u32 $0x3FFFFC, v0  }
0x242: {  	v0 =	vsub.s32 v0, v2  }
0x243: {  	v0 =	vshll.u32 v0, $0x1  }
0x244: {  	v0 =	vadd.s32 $0x2, v0  }
0x245: {  	v2 =	vld [tilespmem:s14+$0x0];
	v0 =	vand.u32 $0x7FFFFC, v0  }
0x246: {  	v0 =	vsub.s32 v0, v1  }
0x247: {  	v0 =	vshll.u32 v0, $0x1  }
0x248: {  	v0 =	vadd.s32 $0x2, v0  }
0x249: {  	v1 =	vld [tilespmem:s3+$0x1180];
	v0 =	vand.u32 $0xFFFFFC, v0  }
0x24a: {  	v0 =	vsub.s32 v0, v2  }
0x24b: {  	v0 =	vshll.u32 v0, $0x1  }
0x24c: {  	v0 =	vadd.s32 $0x2, v0  }
0x24d: {  	v2 =	vld [tilespmem:s3+$0x1200];
	v0 =	vand.u32 $0x1FFFFFC, v0  }
0x24e: {  	v0 =	vsub.s32 v0, v1  }
0x24f: {  	v0 =	vshll.u32 v0, $0x1  }
0x250: {  	v0 =	vadd.s32 $0x2, v0  }
0x251: {  	v1 =	vld [tilespmem:s3+$0x1280];
	v0 =	vand.u32 $0x3FFFFFC, v0  }
0x252: {  	v0 =	vsub.s32 v0, v2  }
0x253: {  	v0 =	vshll.u32 v0, $0x1  }
0x254: {  	v0 =	vadd.s32 $0x2, v0  }
0x255: {  	v2 =	vld [tilespmem:s3+$0x1300];
	v0 =	vand.u32 $0x7FFFFFC, v0  }
0x256: {  	v0 =	vsub.s32 v0, v1  }
0x257: {  	v0 =	vshll.u32 v0, $0x1  }
0x258: {  	v0 =	vadd.s32 $0x2, v0  }
0x259: {  	v1 =	vld [tilespmem:s3+$0x1380];
	v0 =	vand.u32 $0xFFFFFFC, v0  }
0x25a: {  	v0 =	vsub.s32 v0, v2  }
0x25b: {  	v0 =	vshll.u32 v0, $0x1  }
0x25c: {  	v0 =	vadd.s32 $0x2, v0  }
0x25d: {  	v2 =	vld [tilespmem:s3+$0x2000];
	v0 =	vand.u32 $0x1FFFFFFC, v0  }
0x25e: {  	v0 =	vsub.s32 v0, v1  }
0x25f: {  	v0 =	vshll.u32 v0, $0x1  }
0x260: {  	v0 =	vadd.s32 $0x2, v0  }
0x261: {  	v1 =	vld [tilespmem:s3+$0x2080];
	v0 =	vand.u32 $0x3FFFFFFC, v0  }
0x262: {  	v0 =	vsub.s32 v0, v2  }
0x263: {  	v0 =	vshll.u32 v0, $0x1  }
0x264: {  	v0 =	vadd.s32 $0x2, v0  }
0x265: {  	v2 =	vld [tilespmem:s3+$0x2100];
	v0 =	vand.u32 $0x7FFFFFFC, v0  }
.Ltmp2:
0x266: {  	v1 =	vsub.s32 v0, v1;
	v0 =	vld [tilespmem:s31+$0x0];
	(pc) =	sbr.rel @p0 .LBB2_6-.Ltmp2, $4  }
0x267: {  	v1 =	vshll.u32 v1, $0x1  }
0x268: {  	v1 =	vadd.s32 $0x2, v1  }
0x269: {  	s26 =	sadd.s32 $0x80, s26;
	v1 =	vand.u32 $0xFFFFFFFC, v1  }
0x26a: {  	s30 =	sadd.s32 $0x40, s30;
	s3 =	sshll.u32 s26, $0x2;
	v1 =	vsub.s32 v1, v2  }
0x26b: {  	s14 =	sand.u32 $0xFFFFF000, s3;
	v1 =	vadd.s32 $0x1, v1;
	v0 =	vsub.s32 $0x1, v0  }
0x26c: {  	s30 =	sadd.s32 s18, s14;
	v1 =	vand.u32 $0xFFFFFFFE, v1;
	v0 =	vshra.s32 v0, $0x1  }
0x26d: {  	s31 =	sadd.s32 $0x8600, s30;
	v0 =	vadd.s32 v0, v1  }
0x26e: {  	s26 =	sshra.s32 s31, $0x2;
	[tilespmem:s25+$0x3100] =	vst v0  }
0x26f: {  	v0 =	vld [tilespmem:s26+$0xFFFFDE80]  }
0x270: {  	s14 =	sshrl.u32 s14, $0x2;
	s25 =	sshra.s32 s18, $0x2  }
0x271: {  	s18 =	sadd.s32 s25, s14  }
0x272: {  	v1 =	vld [tilespmem:s18+$0x80];
	_ =	sdelay $0x1  }
0x273: {  	v0 =	vshll.u32 v0, $0x1  }
0x274: {  	v0 =	vsub.s32 $0x2, v0  }
0x275: {  	v2 =	vld [tilespmem:s18+$0x100];
	v0 =	vand.u32 $0x7FFC, v0  }
0x276: {  	v0 =	vsub.s32 v0, v1  }
0x277: {  	v0 =	vshll.u32 v0, $0x1  }
0x278: {  	v0 =	vadd.s32 $0x2, v0  }
0x279: {  	v1 =	vld [tilespmem:s18+$0x180];
	v0 =	vand.u32 $0xFFFC, v0  }
0x27a: {  	v0 =	vsub.s32 v0, v2  }
0x27b: {  	v0 =	vshll.u32 v0, $0x1  }
0x27c: {  	v0 =	vadd.s32 $0x2, v0  }
0x27d: {  	v2 =	vld [tilespmem:s18+$0x200];
	v0 =	vand.u32 $0x1FFFC, v0  }
0x27e: {  	v0 =	vsub.s32 v0, v1  }
0x27f: {  	v0 =	vshll.u32 v0, $0x1  }
0x280: {  	v0 =	vadd.s32 $0x2, v0  }
0x281: {  	v1 =	vld [tilespmem:s18+$0x280];
	v0 =	vand.u32 $0x3FFFC, v0  }
0x282: {  	v0 =	vsub.s32 v0, v2  }
0x283: {  	v0 =	vshll.u32 v0, $0x1  }
0x284: {  	v0 =	vadd.s32 $0x2, v0  }
0x285: {  	v2 =	vld [tilespmem:s18+$0x300];
	v0 =	vand.u32 $0x7FFFC, v0  }
0x286: {  	v0 =	vsub.s32 v0, v1  }
0x287: {  	v0 =	vshll.u32 v0, $0x1  }
0x288: {  	v0 =	vadd.s32 $0x2, v0  }
0x289: {  	v1 =	vld [tilespmem:s18+$0x380];
	v0 =	vand.u32 $0xFFFFC, v0  }
0x28a: {  	v0 =	vsub.s32 v0, v2  }
0x28b: {  	v0 =	vshll.u32 v0, $0x1  }
0x28c: {  	v0 =	vadd.s32 $0x2, v0  }
0x28d: {  	v2 =	vld [tilespmem:s18+$0x1000];
	v0 =	vand.u32 $0x1FFFFC, v0  }
0x28e: {  	v0 =	vsub.s32 v0, v1  }
0x28f: {  	s31 =	sadd.s32 $0x4400, s30;
	v0 =	vshll.u32 v0, $0x1  }
0x290: {  	s14 =	sshra.s32 s31, $0x2;
	v0 =	vadd.s32 $0x2, v0  }
0x291: {  	v1 =	vld [tilespmem:s14+$0xFFFFFF80];
	v0 =	vand.u32 $0x3FFFFC, v0  }
0x292: {  	v0 =	vsub.s32 v0, v2  }
0x293: {  	v0 =	vshll.u32 v0, $0x1  }
0x294: {  	v0 =	vadd.s32 $0x2, v0  }
0x295: {  	v2 =	vld [tilespmem:s14+$0x0];
	v0 =	vand.u32 $0x7FFFFC, v0  }
0x296: {  	v0 =	vsub.s32 v0, v1  }
0x297: {  	v0 =	vshll.u32 v0, $0x1  }
0x298: {  	v0 =	vadd.s32 $0x2, v0  }
0x299: {  	v1 =	vld [tilespmem:s18+$0x1180];
	v0 =	vand.u32 $0xFFFFFC, v0  }
0x29a: {  	v0 =	vsub.s32 v0, v2  }
0x29b: {  	v0 =	vshll.u32 v0, $0x1  }
0x29c: {  	v0 =	vadd.s32 $0x2, v0  }
0x29d: {  	v2 =	vld [tilespmem:s18+$0x1200];
	v0 =	vand.u32 $0x1FFFFFC, v0  }
0x29e: {  	v0 =	vsub.s32 v0, v1  }
0x29f: {  	v0 =	vshll.u32 v0, $0x1  }
0x2a0: {  	v0 =	vadd.s32 $0x2, v0  }
0x2a1: {  	v1 =	vld [tilespmem:s18+$0x1280];
	v0 =	vand.u32 $0x3FFFFFC, v0  }
0x2a2: {  	v0 =	vsub.s32 v0, v2  }
0x2a3: {  	v0 =	vshll.u32 v0, $0x1  }
0x2a4: {  	v0 =	vadd.s32 $0x2, v0  }
0x2a5: {  	v2 =	vld [tilespmem:s18+$0x1300];
	v0 =	vand.u32 $0x7FFFFFC, v0  }
0x2a6: {  	v0 =	vsub.s32 v0, v1  }
0x2a7: {  	v0 =	vshll.u32 v0, $0x1  }
0x2a8: {  	v0 =	vadd.s32 $0x2, v0  }
0x2a9: {  	v1 =	vld [tilespmem:s18+$0x1380];
	v0 =	vand.u32 $0xFFFFFFC, v0  }
0x2aa: {  	v0 =	vsub.s32 v0, v2  }
0x2ab: {  	v0 =	vshll.u32 v0, $0x1  }
0x2ac: {  	v0 =	vadd.s32 $0x2, v0  }
0x2ad: {  	v2 =	vld [tilespmem:s18+$0x2000];
	v0 =	vand.u32 $0x1FFFFFFC, v0  }
0x2ae: {  	v0 =	vsub.s32 v0, v1  }
0x2af: {  	v0 =	vshll.u32 v0, $0x1  }
0x2b0: {  	v0 =	vadd.s32 $0x2, v0  }
0x2b1: {  	v1 =	vld [tilespmem:s18+$0x2080];
	v0 =	vand.u32 $0x3FFFFFFC, v0  }
0x2b2: {  	v0 =	vsub.s32 v0, v2  }
0x2b3: {  	v0 =	vshll.u32 v0, $0x1  }
0x2b4: {  	v0 =	vadd.s32 $0x2, v0  }
0x2b5: {  	v2 =	vld [tilespmem:s18+$0x2100];
	v0 =	vand.u32 $0x7FFFFFFC, v0  }
0x2b6: {  	v0 =	vsub.s32 v0, v1;
	v1 =	vld [tilespmem:s26+$0x0]  }
0x2b7: {  	v0 =	vshll.u32 v0, $0x1  }
0x2b8: {  	v0 =	vadd.s32 $0x2, v0  }
0x2b9: {  	v0 =	vand.u32 $0xFFFFFFFC, v0  }
0x2ba: {  	v0 =	vsub.s32 v0, v2  }
0x2bb: {  	v0 =	vadd.s32 $0x1, v0;
	v1 =	vsub.s32 $0x1, v1  }
0x2bc: {  	v0 =	vand.u32 $0xFFFFFFFE, v0;
	v1 =	vshra.s32 v1, $0x1  }
0x2bd: {  	v0 =	vadd.s32 v1, v0  }
0x2be: {  	s14 =	simm.s32 $0x3300;
	[tilespmem:s25+$0x3100] =	vst v0;
	s25 =	simm.s32 $0x3000  }
0x2bf: {  	[tilespmem:s14], [sflag:$0x1] =	stream.indirect.gather [hbm4b:s1+s20], $0x1, s29, s20, $0xb8;
	[tilespmem:$0x3600] =	vst v63  }
0x2c0: {  	s26 =	sand.u32 $0xFFFFF000, s25  }
0x2c1: {  	s18 =	simm.s32 $0x3500;
	s31 =	sadd.s32 $0x0, s26  }
0x2c2: {  	[tilespmem:s18], [sflag:$0x2] =	stream.indirect.gather [hbm4b:s2+s20], $0x1, s29, s20, $0xb8;
	[tilespmem:$0x3600] =	vst v63  }
0x2c3: {  	s18 =	sadd.s32 $0x8600, s31  }
0x2c4: {  	s3 =	sshra.s32 s18, $0x2  }
0x2c5: {  	v0 =	vld [tilespmem:s3+$0xFFFFDE80]  }
0x2c6: {  	s14 =	sshrl.u32 s26, $0x2  }
0x2c7: {  	s26 =	sadd.s32 $0x0, s14  }
0x2c8: {  	v1 =	vld [tilespmem:s26+$0x80];
	_ =	sdelay $0x1  }
0x2c9: {  	v0 =	vshll.u32 v0, $0x1  }
0x2ca: {  	v0 =	vsub.s32 $0x2, v0  }
0x2cb: {  	v2 =	vld [tilespmem:s26+$0x100];
	v0 =	vand.u32 $0x7FFC, v0  }
0x2cc: {  	v0 =	vsub.s32 v0, v1  }
0x2cd: {  	v0 =	vshll.u32 v0, $0x1  }
0x2ce: {  	v0 =	vadd.s32 $0x2, v0  }
0x2cf: {  	v1 =	vld [tilespmem:s26+$0x180];
	v0 =	vand.u32 $0xFFFC, v0  }
0x2d0: {  	v0 =	vsub.s32 v0, v2  }
0x2d1: {  	v0 =	vshll.u32 v0, $0x1  }
0x2d2: {  	v0 =	vadd.s32 $0x2, v0  }
0x2d3: {  	v2 =	vld [tilespmem:s26+$0x200];
	v0 =	vand.u32 $0x1FFFC, v0  }
0x2d4: {  	v0 =	vsub.s32 v0, v1  }
0x2d5: {  	v0 =	vshll.u32 v0, $0x1  }
0x2d6: {  	v0 =	vadd.s32 $0x2, v0  }
0x2d7: {  	v1 =	vld [tilespmem:s26+$0x280];
	v0 =	vand.u32 $0x3FFFC, v0  }
0x2d8: {  	v0 =	vsub.s32 v0, v2  }
0x2d9: {  	v0 =	vshll.u32 v0, $0x1  }
0x2da: {  	v0 =	vadd.s32 $0x2, v0  }
0x2db: {  	v2 =	vld [tilespmem:s26+$0x300];
	v0 =	vand.u32 $0x7FFFC, v0  }
0x2dc: {  	v0 =	vsub.s32 v0, v1  }
0x2dd: {  	v0 =	vshll.u32 v0, $0x1  }
0x2de: {  	v0 =	vadd.s32 $0x2, v0  }
0x2df: {  	v1 =	vld [tilespmem:s26+$0x380];
	v0 =	vand.u32 $0xFFFFC, v0  }
0x2e0: {  	v0 =	vsub.s32 v0, v2  }
0x2e1: {  	v0 =	vshll.u32 v0, $0x1  }
0x2e2: {  	v0 =	vadd.s32 $0x2, v0  }
0x2e3: {  	v2 =	vld [tilespmem:s26+$0x1000];
	v0 =	vand.u32 $0x1FFFFC, v0  }
0x2e4: {  	v0 =	vsub.s32 v0, v1  }
0x2e5: {  	s31 =	sadd.s32 $0x4400, s31;
	v0 =	vshll.u32 v0, $0x1  }
0x2e6: {  	s14 =	sshra.s32 s31, $0x2;
	v0 =	vadd.s32 $0x2, v0  }
0x2e7: {  	v1 =	vld [tilespmem:s14+$0xFFFFFF80];
	v0 =	vand.u32 $0x3FFFFC, v0  }
0x2e8: {  	v0 =	vsub.s32 v0, v2  }
0x2e9: {  	v0 =	vshll.u32 v0, $0x1  }
0x2ea: {  	v0 =	vadd.s32 $0x2, v0  }
0x2eb: {  	v2 =	vld [tilespmem:s14+$0x0];
	v0 =	vand.u32 $0x7FFFFC, v0  }
0x2ec: {  	v0 =	vsub.s32 v0, v1  }
0x2ed: {  	v0 =	vshll.u32 v0, $0x1  }
0x2ee: {  	v0 =	vadd.s32 $0x2, v0  }
0x2ef: {  	v1 =	vld [tilespmem:s26+$0x1180];
	v0 =	vand.u32 $0xFFFFFC, v0  }
0x2f0: {  	v0 =	vsub.s32 v0, v2  }
0x2f1: {  	v0 =	vshll.u32 v0, $0x1  }
0x2f2: {  	v0 =	vadd.s32 $0x2, v0  }
0x2f3: {  	v2 =	vld [tilespmem:s26+$0x1200];
	v0 =	vand.u32 $0x1FFFFFC, v0  }
0x2f4: {  	v0 =	vsub.s32 v0, v1  }
0x2f5: {  	v0 =	vshll.u32 v0, $0x1  }
0x2f6: {  	v0 =	vadd.s32 $0x2, v0  }
0x2f7: {  	v1 =	vld [tilespmem:s26+$0x1280];
	v0 =	vand.u32 $0x3FFFFFC, v0  }
0x2f8: {  	v0 =	vsub.s32 v0, v2  }
0x2f9: {  	v0 =	vshll.u32 v0, $0x1  }
0x2fa: {  	v0 =	vadd.s32 $0x2, v0  }
0x2fb: {  	v2 =	vld [tilespmem:s26+$0x1300];
	v0 =	vand.u32 $0x7FFFFFC, v0  }
0x2fc: {  	v0 =	vsub.s32 v0, v1  }
0x2fd: {  	v0 =	vshll.u32 v0, $0x1  }
0x2fe: {  	v0 =	vadd.s32 $0x2, v0  }
0x2ff: {  	v1 =	vld [tilespmem:s26+$0x1380];
	v0 =	vand.u32 $0xFFFFFFC, v0  }
0x300: {  	v0 =	vsub.s32 v0, v2  }
0x301: {  	v0 =	vshll.u32 v0, $0x1  }
0x302: {  	v0 =	vadd.s32 $0x2, v0  }
0x303: {  	v2 =	vld [tilespmem:s26+$0x2000];
	v0 =	vand.u32 $0x1FFFFFFC, v0  }
0x304: {  	v0 =	vsub.s32 v0, v1  }
0x305: {  	v0 =	vshll.u32 v0, $0x1  }
0x306: {  	v0 =	vadd.s32 $0x2, v0  }
0x307: {  	v1 =	vld [tilespmem:s26+$0x2080];
	v0 =	vand.u32 $0x3FFFFFFC, v0  }
0x308: {  	v0 =	vsub.s32 v0, v2  }
0x309: {  	v0 =	vshll.u32 v0, $0x1  }
0x30a: {  	v0 =	vadd.s32 $0x2, v0  }
0x30b: {  	v0 =	vand.u32 $0x7FFFFFFC, v0  }
0x30c: {  	v0 =	vsub.s32 v0, v1  }
0x30d: {  	v0 =	vshll.u32 v0, $0x1  }
0x30e: {  	v2 =	vld [tilespmem:s26+$0x2100];
	v0 =	vadd.s32 $0x2, v0  }
0x30f: {  	v1 =	vand.u32 $0xFFFFFFFC, v0;
	v0 =	vld [tilespmem:s3+$0x0];
	_ =	sdelay $0x2  }
0x310: {  	s30 =	simm.s32 $0x80;
	s25 =	simm.s32 $0x0  }
0x311: {  	s18 =	simm.s32 $0x40;
	s26 =	simm.s32 $0xC80;
	s3 =	simm.s32 $0x3200;
	v1 =	vsub.s32 v1, v2  }
.LBB2_8:
0x312: {  	p0 =	sne.s32 s30, $0x1C0;
	s3 =	sand.u32 $0xFFFFF000, s3;
	v1 =	vadd.s32 $0x1, v1;
	v0 =	vsub.s32 $0x1, v0  }
0x313: {  	s14 =	sadd.s32 s18, s3;
	v1 =	vand.u32 $0xFFFFFFFE, v1;
	v0 =	vshra.s32 v0, $0x1  }
0x314: {  	s31 =	sadd.s32 $0x8600, s14;
	v0 =	vadd.s32 v0, v1  }
0x315: {  	s31 =	sshra.s32 s31, $0x2;
	[tilespmem:s25+$0x3180] =	vst v0  }
0x316: {  	v0 =	vld [tilespmem:s31+$0xFFFFDE80]  }
0x317: {  	s3 =	sshrl.u32 s3, $0x2;
	s25 =	sshra.s32 s18, $0x2;
	s18 =	smov.u32 s30  }
0x318: {  	s3 =	sadd.s32 s25, s3  }
0x319: {  	v1 =	vld [tilespmem:s3+$0x80];
	_ =	sdelay $0x1  }
0x31a: {  	v0 =	vshll.u32 v0, $0x1  }
0x31b: {  	v0 =	vsub.s32 $0x2, v0  }
0x31c: {  	v2 =	vld [tilespmem:s3+$0x100];
	v0 =	vand.u32 $0x7FFC, v0  }
0x31d: {  	v0 =	vsub.s32 v0, v1  }
0x31e: {  	v0 =	vshll.u32 v0, $0x1  }
0x31f: {  	v0 =	vadd.s32 $0x2, v0  }
0x320: {  	v1 =	vld [tilespmem:s3+$0x180];
	v0 =	vand.u32 $0xFFFC, v0  }
0x321: {  	v0 =	vsub.s32 v0, v2  }
0x322: {  	v0 =	vshll.u32 v0, $0x1  }
0x323: {  	v0 =	vadd.s32 $0x2, v0  }
0x324: {  	v2 =	vld [tilespmem:s3+$0x200];
	v0 =	vand.u32 $0x1FFFC, v0  }
0x325: {  	v0 =	vsub.s32 v0, v1  }
0x326: {  	v0 =	vshll.u32 v0, $0x1  }
0x327: {  	v0 =	vadd.s32 $0x2, v0  }
0x328: {  	v1 =	vld [tilespmem:s3+$0x280];
	v0 =	vand.u32 $0x3FFFC, v0  }
0x329: {  	v0 =	vsub.s32 v0, v2  }
0x32a: {  	v0 =	vshll.u32 v0, $0x1  }
0x32b: {  	v0 =	vadd.s32 $0x2, v0  }
0x32c: {  	v2 =	vld [tilespmem:s3+$0x300];
	v0 =	vand.u32 $0x7FFFC, v0  }
0x32d: {  	v0 =	vsub.s32 v0, v1  }
0x32e: {  	v0 =	vshll.u32 v0, $0x1  }
0x32f: {  	v0 =	vadd.s32 $0x2, v0  }
0x330: {  	v1 =	vld [tilespmem:s3+$0x380];
	v0 =	vand.u32 $0xFFFFC, v0  }
0x331: {  	v0 =	vsub.s32 v0, v2  }
0x332: {  	v0 =	vshll.u32 v0, $0x1  }
0x333: {  	v0 =	vadd.s32 $0x2, v0  }
0x334: {  	v2 =	vld [tilespmem:s3+$0x1000];
	v0 =	vand.u32 $0x1FFFFC, v0  }
0x335: {  	v0 =	vsub.s32 v0, v1  }
0x336: {  	s14 =	sadd.s32 $0x4400, s14;
	v0 =	vshll.u32 v0, $0x1  }
0x337: {  	s14 =	sshra.s32 s14, $0x2;
	v0 =	vadd.s32 $0x2, v0  }
0x338: {  	v1 =	vld [tilespmem:s14+$0xFFFFFF80];
	v0 =	vand.u32 $0x3FFFFC, v0  }
0x339: {  	v0 =	vsub.s32 v0, v2  }
0x33a: {  	v0 =	vshll.u32 v0, $0x1  }
0x33b: {  	v0 =	vadd.s32 $0x2, v0  }
0x33c: {  	v2 =	vld [tilespmem:s14+$0x0];
	v0 =	vand.u32 $0x7FFFFC, v0  }
0x33d: {  	v0 =	vsub.s32 v0, v1  }
0x33e: {  	v0 =	vshll.u32 v0, $0x1  }
0x33f: {  	v0 =	vadd.s32 $0x2, v0  }
0x340: {  	v1 =	vld [tilespmem:s3+$0x1180];
	v0 =	vand.u32 $0xFFFFFC, v0  }
0x341: {  	v0 =	vsub.s32 v0, v2  }
0x342: {  	v0 =	vshll.u32 v0, $0x1  }
0x343: {  	v0 =	vadd.s32 $0x2, v0  }
0x344: {  	v2 =	vld [tilespmem:s3+$0x1200];
	v0 =	vand.u32 $0x1FFFFFC, v0  }
0x345: {  	v0 =	vsub.s32 v0, v1  }
0x346: {  	v0 =	vshll.u32 v0, $0x1  }
0x347: {  	v0 =	vadd.s32 $0x2, v0  }
0x348: {  	v1 =	vld [tilespmem:s3+$0x1280];
	v0 =	vand.u32 $0x3FFFFFC, v0  }
0x349: {  	v0 =	vsub.s32 v0, v2  }
0x34a: {  	v0 =	vshll.u32 v0, $0x1  }
0x34b: {  	v0 =	vadd.s32 $0x2, v0  }
0x34c: {  	v2 =	vld [tilespmem:s3+$0x1300];
	v0 =	vand.u32 $0x7FFFFFC, v0  }
0x34d: {  	v0 =	vsub.s32 v0, v1  }
0x34e: {  	v0 =	vshll.u32 v0, $0x1  }
0x34f: {  	v0 =	vadd.s32 $0x2, v0  }
0x350: {  	v1 =	vld [tilespmem:s3+$0x1380];
	v0 =	vand.u32 $0xFFFFFFC, v0  }
0x351: {  	v0 =	vsub.s32 v0, v2  }
0x352: {  	v0 =	vshll.u32 v0, $0x1  }
0x353: {  	v0 =	vadd.s32 $0x2, v0  }
0x354: {  	v2 =	vld [tilespmem:s3+$0x2000];
	v0 =	vand.u32 $0x1FFFFFFC, v0  }
0x355: {  	v0 =	vsub.s32 v0, v1  }
0x356: {  	v0 =	vshll.u32 v0, $0x1  }
0x357: {  	v0 =	vadd.s32 $0x2, v0  }
0x358: {  	v1 =	vld [tilespmem:s3+$0x2080];
	v0 =	vand.u32 $0x3FFFFFFC, v0  }
0x359: {  	v0 =	vsub.s32 v0, v2  }
0x35a: {  	v0 =	vshll.u32 v0, $0x1  }
0x35b: {  	v0 =	vadd.s32 $0x2, v0  }
0x35c: {  	v2 =	vld [tilespmem:s3+$0x2100];
	v0 =	vand.u32 $0x7FFFFFFC, v0  }
.Ltmp3:
0x35d: {  	v1 =	vsub.s32 v0, v1;
	v0 =	vld [tilespmem:s31+$0x0];
	(pc) =	sbr.rel @p0 .LBB2_8-.Ltmp3, $4  }
0x35e: {  	v1 =	vshll.u32 v1, $0x1  }
0x35f: {  	v1 =	vadd.s32 $0x2, v1  }
0x360: {  	s26 =	sadd.s32 $0x80, s26;
	v1 =	vand.u32 $0xFFFFFFFC, v1  }
0x361: {  	s30 =	sadd.s32 $0x40, s30;
	s3 =	sshll.u32 s26, $0x2;
	v1 =	vsub.s32 v1, v2  }
0x362: {  	s14 =	sand.u32 $0xFFFFF000, s3;
	v1 =	vadd.s32 $0x1, v1;
	v0 =	vsub.s32 $0x1, v0  }
0x363: {  	s30 =	sadd.s32 s18, s14;
	v1 =	vand.u32 $0xFFFFFFFE, v1;
	v0 =	vshra.s32 v0, $0x1  }
0x364: {  	s26 =	sadd.s32 $0x8600, s30;
	v0 =	vadd.s32 v0, v1  }
0x365: {  	s26 =	sshra.s32 s26, $0x2;
	[tilespmem:s25+$0x3180] =	vst v0  }
0x366: {  	v0 =	vld [tilespmem:s26+$0xFFFFDE80]  }
0x367: {  	s31 =	sshra.s32 s18, $0x2;
	s14 =	sshrl.u32 s14, $0x2  }
0x368: {  	s18 =	sadd.s32 s31, s14  }
0x369: {  	v46 =	vld [tilespmem:s18+$0x80];
	_ =	sdelay $0x1  }
0x36a: {  	v0 =	vshll.u32 v0, $0x1  }
0x36b: {  	v0 =	vsub.s32 $0x2, v0  }
0x36c: {  	v2 =	vld [tilespmem:s18+$0x100];
	v0 =	vand.u32 $0x7FFC, v0  }
0x36d: {  	v0 =	vsub.s32 v0, v46  }
0x36e: {  	v0 =	vshll.u32 v0, $0x1  }
0x36f: {  	v0 =	vadd.s32 $0x2, v0  }
0x370: {  	v47 =	vld [tilespmem:s18+$0x180];
	v0 =	vand.u32 $0xFFFC, v0  }
0x371: {  	v0 =	vsub.s32 v0, v2  }
0x372: {  	v0 =	vshll.u32 v0, $0x1  }
0x373: {  	v0 =	vadd.s32 $0x2, v0  }
0x374: {  	v48 =	vld [tilespmem:s18+$0x200];
	v0 =	vand.u32 $0x1FFFC, v0  }
0x375: {  	v0 =	vsub.s32 v0, v47  }
0x376: {  	v0 =	vshll.u32 v0, $0x1  }
0x377: {  	v0 =	vadd.s32 $0x2, v0  }
0x378: {  	v49 =	vld [tilespmem:s18+$0x280];
	v0 =	vand.u32 $0x3FFFC, v0  }
0x379: {  	v0 =	vsub.s32 v0, v48  }
0x37a: {  	v0 =	vshll.u32 v0, $0x1  }
0x37b: {  	v0 =	vadd.s32 $0x2, v0  }
0x37c: {  	v50 =	vld [tilespmem:s18+$0x300];
	v0 =	vand.u32 $0x7FFFC, v0  }
0x37d: {  	v0 =	vsub.s32 v0, v49  }
0x37e: {  	v0 =	vshll.u32 v0, $0x1  }
0x37f: {  	v0 =	vadd.s32 $0x2, v0  }
0x380: {  	v51 =	vld [tilespmem:s18+$0x380];
	v0 =	vand.u32 $0xFFFFC, v0  }
0x381: {  	v0 =	vsub.s32 v0, v50  }
0x382: {  	v0 =	vshll.u32 v0, $0x1  }
0x383: {  	v0 =	vadd.s32 $0x2, v0  }
0x384: {  	v52 =	vld [tilespmem:s18+$0x1000];
	v0 =	vand.u32 $0x1FFFFC, v0  }
0x385: {  	v0 =	vsub.s32 v0, v51  }
0x386: {  	s25 =	sadd.s32 $0x4400, s30;
	v0 =	vshll.u32 v0, $0x1  }
0x387: {  	s14 =	sshra.s32 s25, $0x2;
	v0 =	vadd.s32 $0x2, v0  }
0x388: {  	v53 =	vld [tilespmem:s14+$0xFFFFFF80];
	v0 =	vand.u32 $0x3FFFFC, v0  }
0x389: {  	v0 =	vsub.s32 v0, v52  }
0x38a: {  	v0 =	vshll.u32 v0, $0x1  }
0x38b: {  	v0 =	vadd.s32 $0x2, v0  }
0x38c: {  	v54 =	vld [tilespmem:s14+$0x0];
	v0 =	vand.u32 $0x7FFFFC, v0  }
0x38d: {  	v0 =	vsub.s32 v0, v53  }
0x38e: {  	v0 =	vshll.u32 v0, $0x1  }
0x38f: {  	v0 =	vadd.s32 $0x2, v0  }
0x390: {  	v55 =	vld [tilespmem:s18+$0x1180];
	v0 =	vand.u32 $0xFFFFFC, v0  }
0x391: {  	v0 =	vsub.s32 v0, v54  }
0x392: {  	v0 =	vshll.u32 v0, $0x1  }
0x393: {  	v0 =	vadd.s32 $0x2, v0  }
0x394: {  	v56 =	vld [tilespmem:s18+$0x1200];
	v0 =	vand.u32 $0x1FFFFFC, v0  }
0x395: {  	v0 =	vsub.s32 v0, v55  }
0x396: {  	v0 =	vshll.u32 v0, $0x1  }
0x397: {  	v0 =	vadd.s32 $0x2, v0  }
0x398: {  	v57 =	vld [tilespmem:s18+$0x1280];
	v0 =	vand.u32 $0x3FFFFFC, v0  }
0x399: {  	v0 =	vsub.s32 v0, v56  }
0x39a: {  	v0 =	vshll.u32 v0, $0x1  }
0x39b: {  	v0 =	vadd.s32 $0x2, v0  }
0x39c: {  	v58 =	vld [tilespmem:s18+$0x1300];
	v0 =	vand.u32 $0x7FFFFFC, v0  }
0x39d: {  	v0 =	vsub.s32 v0, v57  }
0x39e: {  	v0 =	vshll.u32 v0, $0x1  }
0x39f: {  	v0 =	vadd.s32 $0x2, v0  }
0x3a0: {  	v59 =	vld [tilespmem:s18+$0x1380];
	v0 =	vand.u32 $0xFFFFFFC, v0  }
0x3a1: {  	v0 =	vsub.s32 v0, v58  }
0x3a2: {  	v0 =	vshll.u32 v0, $0x1  }
0x3a3: {  	v0 =	vadd.s32 $0x2, v0  }
0x3a4: {  	v60 =	vld [tilespmem:s18+$0x2000];
	v0 =	vand.u32 $0x1FFFFFFC, v0  }
0x3a5: {  	v0 =	vsub.s32 v0, v59  }
0x3a6: {  	v0 =	vshll.u32 v0, $0x1  }
0x3a7: {  	v0 =	vadd.s32 $0x2, v0  }
0x3a8: {  	v61 =	vld [tilespmem:s18+$0x2080];
	v0 =	vand.u32 $0x3FFFFFFC, v0  }
0x3a9: {  	v0 =	vsub.s32 v0, v60  }
0x3aa: {  	v0 =	vshll.u32 v0, $0x1  }
0x3ab: {  	v0 =	vadd.s32 $0x2, v0  }
0x3ac: {  	v62 =	vld [tilespmem:s18+$0x2100];
	v0 =	vand.u32 $0x7FFFFFFC, v0  }
0x3ad: {  	v63 =	vld [tilespmem:s26+$0x0];
	v0 =	vsub.s32 v0, v61  }
0x3ae: {  	v0 =	vshll.u32 v0, $0x1  }
0x3af: {  	v0 =	vadd.s32 $0x2, v0  }
0x3b0: {  	v0 =	vand.u32 $0xFFFFFFFC, v0  }
0x3b1: {  	v0 =	vsub.s32 v0, v62  }
0x3b2: {  	v1 =	vsub.s32 $0x1, v63;
	v0 =	vadd.s32 $0x1, v0  }
0x3b3: {  	v1 =	vshra.s32 v1, $0x1;
	v0 =	vand.u32 $0xFFFFFFFE, v0  }
0x3b4: {  	v0 =	vadd.s32 v1, v0  }
0x3b5: {  	s30 =	simm.s32 $0x3380;
	[tilespmem:s31+$0x3180] =	vst v0  }
0x3b6: {  	[tilespmem:s30], [sflag:$0x1] =	stream.indirect.gather [hbm4b:s1+s20], $0x1, s0, s20, $0xb8;
	[tilespmem:$0x3600] =	vst v63  }
0x3b7: {  	s31 =	simm.s32 $0x3580  }
0x3b8: {  	[tilespmem:s31], [sflag:$0x2] =	stream.indirect.gather [hbm4b:s2+s20], $0x1, s0, s20, $0xb8;
	[tilespmem:$0x3600] =	vst v63  }
0x3b9: {  	_ =	swait.ge [sflag:s19], $0x80  }
0x3ba: {  	[sflag:s19] =	ssyncset.done $0x0  }
0x3bb: {  	[sflag:s19] =	ssyncadd.s32 $0xFFFFFF80  }
0x3bc: {  	_ =	swait.ge [sflag:s28], $0x80  }
0x3bd: {  	[sflag:s28] =	ssyncset.done $0x0  }
0x3be: {  	[sflag:s28] =	ssyncadd.s32 $0xFFFFFF80  }
0x3bf: {  	_ =	swait.ge [sflag:s19], $0x80  }
0x3c0: {  	[sflag:s19] =	ssyncset.done $0x0  }
0x3c1: {  	[sflag:s19] =	ssyncadd.s32 $0xFFFFFF80  }
0x3c2: {  	_ =	swait.ge [sflag:s28], $0x80  }
0x3c3: {  	[sflag:s28] =	ssyncset.done $0x0  }
0x3c4: {  	[sflag:s28] =	ssyncadd.s32 $0xFFFFFF80  }
0x3c5: {  	_ =	swait.ge [sflag:s19], $0x80  }
0x3c6: {  	[sflag:s19] =	ssyncset.done $0x0  }
0x3c7: {  	[sflag:s19] =	ssyncadd.s32 $0xFFFFFF80  }
0x3c8: {  	_ =	swait.ge [sflag:s28], $0x80  }
0x3c9: {  	[sflag:s28] =	ssyncset.done $0x0  }
0x3ca: {  	[sflag:s28] =	ssyncadd.s32 $0xFFFFFF80  }
0x3cb: {  	_ =	swait.ge [sflag:s19], $0x80  }
0x3cc: {  	[sflag:s19] =	ssyncset.done $0x0  }
0x3cd: {  	[sflag:s19] =	ssyncadd.s32 $0xFFFFFF80  }
0x3ce: {  	_ =	swait.ge [sflag:s28], $0x80  }
0x3cf: {  	[sflag:s28] =	ssyncset.done $0x0  }
0x3d0: {  	[sflag:s28] =	ssyncadd.s32 $0xFFFFFF80  }
0x3d1: {  	[hbm4b:s7+s4] =	stream.linear.scatter [tilespmem:s22], [sflag:$0x3], $0x200, $0x38;
	[tilespmem:$0x3600] =	vst v63  }
0x3d2: {  	s17 =	sadd.s32 $0x1, s17  }
0x3d3: {  	[hbm4b:s8+s4] =	stream.linear.scatter [tilespmem:s23], [sflag:$0x4], $0x200, $0x38;
	[tilespmem:$0x3600] =	vst v63  }
0x3d4: {  	p0 =	sne.s32 s17, s9;
	_ =	swait.ge [sflag:s15], $0x200  }
.Ltmp4:
0x3d5: {  	[sflag:s15] =	ssyncset.done $0x0;
	(pc) =	sbr.rel @p0 .LBB2_1-.Ltmp4, $4  }
0x3d6: {  	[sflag:s15] =	ssyncadd.s32 $0xFFFFFE00  }
0x3d7: {  	_ =	swait.ge [sflag:s16], $0x200  }
0x3d8: {  	[sflag:s16] =	ssyncset.done $0x0  }
0x3d9: {  	[sflag:s16] =	ssyncadd.s32 $0xFFFFFE00  }
0x3da: {  	_ =	sfence.sel $0x180000  }
0x3db: {  	[bflag:$0x0] =	sbarrier.arrive $0xFFFF  }
0x3dc: {  	_ =	strace $0x90000047  }
0x3dd: {  	s0 =	stileid.u32;
	[bflag:$0x2] =	sbarrier.arrive $0xFFFF  }
0x3de: {  	p0 =	sne.s32 s0, $0x0;
	s0 =	rddreg [dreg:$0x4]  }
0x3df: {  	s0 =	sadd.s32 @!p0 $0x100000, s0  }
0x3e0: {  	[sflag:s0] =	ssyncadd.tile.s32 @!p0 $0x1;
	_ =	shalt  }
.Lfunc_end2:
_tile_overlayer_lowered:
.L_overlay_start_2:
0x3e1: {  	(tag) =	ssettag $0x2  }
0x3e2: {  	s0 =	rddreg [dreg:$0x0];
	s2 =	stileid.u32  }
0x3e3: {  	s1 =	rddreg [dreg:$0x1];
	p0 =	sne.s32 s2, $0x0  }
0x3e4: {  	s3 =	rddreg [dreg:$0x2];
	[bflag:$0x3] =	sbarrier.arrive $0xFFFF;
	s2 =	simm.s32 @!p0 $0x1C04  }
0x3e5: {  	[timem:s3], [sflag:s2] =	dma.local @!p0 [hbm:s0], s1  }
0x3e6: {  	s0 =	simm.s32 @!p0 $0x4  }
0x3e7: {  	_ =	swait.ge @!p0 [sflag:s0], s1  }
0x3e8: {  	s1 =	ssub.s32 @!p0 $0x0, s1;
	[sflag:s0] =	ssyncset.done @!p0 $0x0  }
0x3e9: {  	[sflag:s0] =	ssyncadd.s32 @!p0 s1  }
0x3ea: {  	[bflag:$0x3] =	sbarrier.arrive $0xFFFF  }
0x3eb: {  	_ =	shalt  }

</sc_bundles>
